<compile_context>
chip_gen: v7x
topology: tpu7x:2x2x1
jax: 0.10.2.dev20260603
libtpu: 0.0.44.dev20260713+nightly
codegen_flags: <defaults>
</compile_context>

<pallas_src>
import functools

import jax
import jax.numpy as jnp
from jax import lax
from jax.experimental import pallas as pl
from jax.experimental.pallas import tpu as pltpu
from jax.experimental.pallas import tpu_sc as plsc

N, C = 8, 96
H_OUT, W_OUT = 224, 224
ROWS = N * C
L_IN = 112 * 112
L_OUT = H_OUT * W_OUT
N_ELEMS = ROWS * L_IN
L_TOTAL = ROWS * L_OUT
LANES = 16
N_WORKERS = 32
WIN = 28672
N_WINDOWS = L_TOTAL // WIN
WINS_PER_W = N_WINDOWS // N_WORKERS
DMA_LEN = 8256
N_CHUNKS = DMA_LEN // LANES
NSTARTS = N_WINDOWS + 2 * LANES
KEYMASK = 0x7FFFFFFF
FLAG = -2147483648

_MESH = plsc.VectorSubcoreMesh(core_axis_name="c", subcore_axis_name="s")


@functools.partial(
    pl.kernel,
    mesh=_MESH,
    out_type=jax.ShapeDtypeStruct((L_TOTAL,), jnp.float32),
    scratch_types=[
        pltpu.VMEM((WIN,), jnp.float32),
        pltpu.VMEM((WIN,), jnp.float32),
        pltpu.VMEM((DMA_LEN,), jnp.int32),
        pltpu.VMEM((DMA_LEN,), jnp.int32),
        pltpu.VMEM((DMA_LEN,), jnp.float32),
        pltpu.VMEM((DMA_LEN,), jnp.float32),
        pltpu.VMEM((NSTARTS,), jnp.int32),
        pltpu.SemaphoreType.DMA,
        pltpu.SemaphoreType.DMA,
        pltpu.SemaphoreType.DMA,
        pltpu.SemaphoreType.DMA,
        pltpu.SemaphoreType.DMA,
        pltpu.SemaphoreType.DMA,
    ],
    compiler_params=pltpu.CompilerParams(needs_layout_passes=False),
)
def _sc_scatter(keys_hbm, vals_hbm, starts_hbm, out_hbm,
                outbuf0, outbuf1, keybuf0, keybuf1, valbuf0, valbuf1,
                startsbuf, sk0, sk1, sv0, sv1, so0, so1):
    wid = lax.axis_index("s") * 2 + lax.axis_index("c")
    outbufs = (outbuf0, outbuf1)
    keybufs = (keybuf0, keybuf1)
    valbufs = (valbuf0, valbuf1)
    ksems = (sk0, sk1)
    vsems = (sv0, sv1)
    osems = (so0, so1)

    pltpu.sync_copy(starts_hbm, startsbuf)
    zeros16 = jnp.zeros((LANES,), jnp.float32)

    def start_in(t, b):
        j = wid * WINS_PER_W + t
        svec = startsbuf[pl.ds(j, LANES)]
        s0 = svec[0]
        start = jnp.minimum(s0 & jnp.int32(-16), jnp.int32(N_ELEMS - DMA_LEN))
        start = pl.multiple_of(start, 16)
        pltpu.async_copy(keys_hbm.at[pl.ds(start, DMA_LEN)],
                         keybufs[b], ksems[b])
        pltpu.async_copy(vals_hbm.at[pl.ds(start, DMA_LEN)],
                         valbufs[b], vsems[b])

    def wait_in(b):
        pltpu.make_async_copy(keys_hbm.at[pl.ds(0, DMA_LEN)],
                              keybufs[b], ksems[b]).wait()
        pltpu.make_async_copy(vals_hbm.at[pl.ds(0, DMA_LEN)],
                              valbufs[b], vsems[b]).wait()

    def wait_out(b):
        pltpu.make_async_copy(outbufs[b], out_hbm.at[pl.ds(0, WIN)],
                              osems[b]).wait()

    start_in(0, 0)

    def gbody(g, carry):
        for b in range(2):
            t = g * 2 + b
            start_in(t + 1, 1 - b)

            @pl.when(t >= 2)
            def _():
                wait_out(b)

            outbuf = outbufs[b]
            keybuf = keybufs[b]
            valbuf = valbufs[b]

            def zbody(i, c):
                for u in range(16):
                    outbuf[pl.ds((i * 16 + u) * LANES, LANES)] = zeros16
                return c

            lax.fori_loop(0, WIN // (16 * LANES), zbody, 0)

            wait_in(b)
            j = wid * WINS_PER_W + t
            base = j * WIN

            def cbody(i, c):
                for u in range(4):
                    off = (i * 4 + u) * LANES
                    kv = keybuf[pl.ds(off, LANES)]
                    vv = valbuf[pl.ds(off, LANES)]
                    o = (kv & jnp.int32(KEYMASK)) - base
                    m = (kv < 0) & (o >= 0) & (o < WIN)
                    plsc.store_scatter(outbuf, [o], vv, mask=m)
                return c

            lax.fori_loop(0, N_CHUNKS // 4, cbody, 0)
            pltpu.async_copy(outbuf, out_hbm.at[pl.ds(base, WIN)], osems[b])
        return carry

    lax.fori_loop(0, WINS_PER_W // 2, gbody, 0)
    wait_in(0)
    wait_out(0)
    wait_out(1)


def kernel(input, indices):
    idx = indices.reshape(ROWS, L_IN).astype(jnp.int32)
    vals = input.reshape(N_ELEMS)
    row = lax.broadcasted_iota(jnp.int32, (ROWS, L_IN), 0)
    keys = (row * jnp.int32(L_OUT) + idx).reshape(N_ELEMS)
    skeys, svals = lax.sort((keys, vals), dimension=0, is_stable=False,
                            num_keys=1)
    bounds = jnp.arange(N_WINDOWS + 1, dtype=jnp.int32) * jnp.int32(WIN)
    starts = jnp.searchsorted(skeys, bounds, side="left").astype(jnp.int32)
    starts = jnp.concatenate(
        [starts, jnp.full((NSTARTS - N_WINDOWS - 1,), N_ELEMS, jnp.int32)])
    nxt = jnp.concatenate([skeys[1:], jnp.full((1,), -1, jnp.int32)])
    fkeys = jnp.where(skeys != nxt, skeys | jnp.int32(FLAG), skeys)
    out = _sc_scatter(fkeys, svals, starts)
    return out.reshape(N, C, H_OUT, W_OUT)

# --- scband reference (transcript-rebuilt; emitter-appended) ---
"""Pipeline reference for scband-max-unpool2d-79104707658429 (READ-ONLY COPY).

The authoritative reference and input builder live on the scoring server;
editing this copy changes nothing except your own understanding.
"""

import jax, jax.numpy as jnp
import numpy as np

KERNEL = (2, 2)
STRIDE = (2, 2)
PADDING = (0, 0)

def setup_inputs(seed: int = 0) -> dict:
    key = jax.random.key(seed)
    k1, k2 = jax.random.split(key)
    N, C, H_in, W_in = 8, 96, 112, 112
    H_out = (H_in - 1) * STRIDE[0] - 2 * PADDING[0] + KERNEL[0]
    W_out = (W_in - 1) * STRIDE[1] - 2 * PADDING[1] + KERNEL[1]
    inp = jax.random.normal(k1, (N, C, H_in, W_in), dtype=jnp.float32)
    indices = jax.random.randint(k2, (N, C, H_in, W_in), 0, H_out * W_out, dtype=jnp.int64)
    return {"input": inp, "indices": indices}

def reference(input, indices):
    # MaxUnpool2d: scatter input values into a zero output at the given flat
    # spatial indices (per (N, C) plane), matching F.max_unpool2d semantics.
    N, C, H_in, W_in = input.shape
    H_out = (H_in - 1) * STRIDE[0] - 2 * PADDING[0] + KERNEL[0]
    W_out = (W_in - 1) * STRIDE[1] - 2 * PADDING[1] + KERNEL[1]
    L_out = H_out * W_out
    vals = input.reshape(N * C, H_in * W_in)
    idx = indices.reshape(N * C, H_in * W_in)
    rows = jnp.arange(N * C, dtype=idx.dtype)[:, None]
    out_flat = jnp.zeros((N * C, L_out), dtype=input.dtype)
    out_flat = out_flat.at[rows, idx].set(vals)
    return out_flat.reshape(N, C, H_out, W_out)

if __name__ == "__main__":
    import jax
    _d = setup_inputs()
    print(jax.jit(kernel)(*tuple(_d.values())))

</pallas_src>

<mosaic_0001>
#map = affine_map<(d0, d1) -> (0)>
module attributes {stable_mosaic.version = 14 : i64} {
  func.func @_sc_scatter(%arg0: i32, %arg1: i32, %arg2: memref<9633792xi32, #tpu.memory_space<hbm>>, %arg3: memref<9633792xf32, #tpu.memory_space<hbm>>, %arg4: memref<1376xi32, #tpu.memory_space<hbm>>, %arg5: memref<38535168xf32, #tpu.memory_space<hbm>>, %arg6: memref<28672xf32, #tpu.memory_space<vmem>>, %arg7: memref<28672xf32, #tpu.memory_space<vmem>>, %arg8: memref<8256xi32, #tpu.memory_space<vmem>>, %arg9: memref<8256xi32, #tpu.memory_space<vmem>>, %arg10: memref<8256xf32, #tpu.memory_space<vmem>>, %arg11: memref<8256xf32, #tpu.memory_space<vmem>>, %arg12: memref<1376xi32, #tpu.memory_space<vmem>>, %arg13: memref<!tpu.dma_semaphore, #tpu.memory_space<semaphore_mem>>, %arg14: memref<!tpu.dma_semaphore, #tpu.memory_space<semaphore_mem>>, %arg15: memref<!tpu.dma_semaphore, #tpu.memory_space<semaphore_mem>>, %arg16: memref<!tpu.dma_semaphore, #tpu.memory_space<semaphore_mem>>, %arg17: memref<!tpu.dma_semaphore, #tpu.memory_space<semaphore_mem>>, %arg18: memref<!tpu.dma_semaphore, #tpu.memory_space<semaphore_mem>>) attributes {dimension_semantics = [#tpu.dimension_semantics<core_parallel>, #tpu.dimension_semantics<subcore_parallel>], iteration_bounds = array<i64: 2, 16>, scalar_prefetch = 0 : i64, scratch_operands = 13 : i64, tpu.core_type = #tpu.core_type<sc_vector_subcore>, window_params = [{transform_indices = #map}, {transform_indices = #map}, {transform_indices = #map}, {transform_indices = #map}]} {
    %mul3A = arith.constant 2 : i32
    %mul3A_0 = arith.muli %arg1, %mul3A : i32
    %add3A = arith.addi %mul3A_0, %arg0 : i32
    "tpu.region"() ({
      %run_scoped3A = tpu.sem_alloc : memref<!tpu.dma_semaphore, #tpu.memory_space<semaphore_mem>>
      tpu.enqueue_dma source(%arg4 : memref<1376xi32, #tpu.memory_space<hbm>>) target(%arg12 : memref<1376xi32, #tpu.memory_space<vmem>>) target_semaphore(%run_scoped3A : memref<!tpu.dma_semaphore, #tpu.memory_space<semaphore_mem>>)
      tpu.wait_dma2 semaphore(%run_scoped3A : memref<!tpu.dma_semaphore, #tpu.memory_space<semaphore_mem>>) src(%arg4 : memref<1376xi32, #tpu.memory_space<hbm>>) dst(%arg12 : memref<1376xi32, #tpu.memory_space<vmem>>)
      tpu.yield
    }) : () -> ()
    %broadcast_in_dim3A = arith.constant 0.000000e+00 : f32
    %broadcast_in_dim3A_1 = vector.broadcast %broadcast_in_dim3A : f32 to vector<16xf32>
    %mul3A_2 = arith.constant 42 : i32
    %mul3A_3 = arith.muli %add3A, %mul3A_2 : i32
    %add3A_4 = arith.constant 0 : i32
    %add3A_5 = arith.addi %mul3A_3, %add3A_4 : i32
    %get3A = arith.index_cast %add3A_5 : i32 to index
    %get3A_6 = tpu.vector_load %arg12[%get3A] {strides = array<i32>} : memref<1376xi32, #tpu.memory_space<vmem>>, vector<16xi32>,
    %slice3A = vector.extract_strided_slice %get3A_6 {offsets = [0], sizes = [1], strides = [1]} : vector<16xi32> to vector<1xi32>
    %squeeze3A = vector.extract %slice3A[0] : i32 from vector<1xi32>
    %and3A = arith.constant -16 : i32
    %and3A_7 = arith.andi %squeeze3A, %and3A : i32
    %min3A = arith.constant 9625536 : i32
    %min3A_8 = arith.minsi %and3A_7, %min3A : i32
    %multiple_of3A = tpu.assume_multiple %min3A_8, 16 : i32
    %dma_start3A = tpu.memref_slice %arg2[%multiple_of3A] : memref<9633792xi32, #tpu.memory_space<hbm>> -> memref<8256xi32, #tpu.memory_space<hbm>>
    %dma_start3A_9 = tpu.memref_slice %arg2[%multiple_of3A] : memref<9633792xi32, #tpu.memory_space<hbm>> -> memref<8256xi32, #tpu.memory_space<hbm>>
    tpu.enqueue_dma source(%dma_start3A_9 : memref<8256xi32, #tpu.memory_space<hbm>>) target(%arg8 : memref<8256xi32, #tpu.memory_space<vmem>>) target_semaphore(%arg13 : memref<!tpu.dma_semaphore, #tpu.memory_space<semaphore_mem>>)
    %dma_start3A_10 = tpu.memref_slice %arg3[%multiple_of3A] : memref<9633792xf32, #tpu.memory_space<hbm>> -> memref<8256xf32, #tpu.memory_space<hbm>>
    %dma_start3A_11 = tpu.memref_slice %arg3[%multiple_of3A] : memref<9633792xf32, #tpu.memory_space<hbm>> -> memref<8256xf32, #tpu.memory_space<hbm>>
    tpu.enqueue_dma source(%dma_start3A_11 : memref<8256xf32, #tpu.memory_space<hbm>>) target(%arg10 : memref<8256xf32, #tpu.memory_space<vmem>>) target_semaphore(%arg15 : memref<!tpu.dma_semaphore, #tpu.memory_space<semaphore_mem>>)
    %scan3A = arith.constant 0 : i32
    %scan3A_12 = arith.constant 0 : i32
    %scan3A_13 = arith.constant 21 : i32
    %scan3A_14 = arith.addi %scan3A_12, %scan3A_13 : i32
    %scan3A_15 = arith.constant 1 : i32
    scf.for %scan3A_32 = %scan3A_12 to %scan3A_14 step %scan3A_15  : i32 {
      %mul3A_33 = arith.constant 2 : i32
      %mul3A_34 = arith.muli %scan3A_32, %mul3A_33 : i32
      %add3A_35 = arith.constant 0 : i32
      %add3A_36 = arith.addi %mul3A_34, %add3A_35 : i32
      %add3A_37 = arith.constant 1 : i32
      %add3A_38 = arith.addi %add3A_36, %add3A_37 : i32
      %mul3A_39 = arith.constant 42 : i32
      %mul3A_40 = arith.muli %add3A, %mul3A_39 : i32
      %add3A_41 = arith.addi %mul3A_40, %add3A_38 : i32
      %get3A_42 = arith.index_cast %add3A_41 : i32 to index
      %get3A_43 = tpu.vector_load %arg12[%get3A_42] {strides = array<i32>} : memref<1376xi32, #tpu.memory_space<vmem>>, vector<16xi32>,
      %slice3A_44 = vector.extract_strided_slice %get3A_43 {offsets = [0], sizes = [1], strides = [1]} : vector<16xi32> to vector<1xi32>
      %squeeze3A_45 = vector.extract %slice3A_44[0] : i32 from vector<1xi32>
      %and3A_46 = arith.constant -16 : i32
      %and3A_47 = arith.andi %squeeze3A_45, %and3A_46 : i32
      %min3A_48 = arith.constant 9625536 : i32
      %min3A_49 = arith.minsi %and3A_47, %min3A_48 : i32
      %multiple_of3A_50 = tpu.assume_multiple %min3A_49, 16 : i32
      %dma_start3A_51 = tpu.memref_slice %arg2[%multiple_of3A_50] : memref<9633792xi32, #tpu.memory_space<hbm>> -> memref<8256xi32, #tpu.memory_space<hbm>>
      %dma_start3A_52 = tpu.memref_slice %arg2[%multiple_of3A_50] : memref<9633792xi32, #tpu.memory_space<hbm>> -> memref<8256xi32, #tpu.memory_space<hbm>>
      tpu.enqueue_dma source(%dma_start3A_52 : memref<8256xi32, #tpu.memory_space<hbm>>) target(%arg9 : memref<8256xi32, #tpu.memory_space<vmem>>) target_semaphore(%arg14 : memref<!tpu.dma_semaphore, #tpu.memory_space<semaphore_mem>>)
      %dma_start3A_53 = tpu.memref_slice %arg3[%multiple_of3A_50] : memref<9633792xf32, #tpu.memory_space<hbm>> -> memref<8256xf32, #tpu.memory_space<hbm>>
      %dma_start3A_54 = tpu.memref_slice %arg3[%multiple_of3A_50] : memref<9633792xf32, #tpu.memory_space<hbm>> -> memref<8256xf32, #tpu.memory_space<hbm>>
      tpu.enqueue_dma source(%dma_start3A_54 : memref<8256xf32, #tpu.memory_space<hbm>>) target(%arg11 : memref<8256xf32, #tpu.memory_space<vmem>>) target_semaphore(%arg16 : memref<!tpu.dma_semaphore, #tpu.memory_space<semaphore_mem>>)
      %ge3A = arith.constant 2 : i32
      %ge3A_55 = arith.cmpi sge, %add3A_36, %ge3A : i32
      %convert_element_type3A = arith.extui %ge3A_55 : i1 to i32
      %cond3A = arith.constant 0 : i32
      %cond3A_56 = arith.cmpi ne, %convert_element_type3A, %cond3A : i32
      scf.if %cond3A_56 {
        %dma_wait3A_138 = arith.constant 0 : i32
        %dma_wait3A_139 = tpu.memref_slice %arg5[%dma_wait3A_138] : memref<38535168xf32, #tpu.memory_space<hbm>> -> memref<28672xf32, #tpu.memory_space<hbm>>
        %dma_wait3A_140 = arith.constant 0 : i32
        %dma_wait3A_141 = tpu.memref_slice %arg5[%dma_wait3A_140] : memref<38535168xf32, #tpu.memory_space<hbm>> -> memref<28672xf32, #tpu.memory_space<hbm>>
        tpu.wait_dma2 semaphore(%arg17 : memref<!tpu.dma_semaphore, #tpu.memory_space<semaphore_mem>>) src(%arg6 : memref<28672xf32, #tpu.memory_space<vmem>>) dst(%dma_wait3A_141 : memref<28672xf32, #tpu.memory_space<hbm>>)
      } else {
      }
      %scan3A_57 = arith.constant 0 : i32
      %scan3A_58 = arith.constant 0 : i32
      %scan3A_59 = arith.constant 112 : i32
      %scan3A_60 = arith.addi %scan3A_58, %scan3A_59 : i32
      %scan3A_61 = arith.constant 1 : i32
      scf.for %scan3A_138 = %scan3A_58 to %scan3A_60 step %scan3A_61  : i32 {
        %mul3A_139 = arith.constant 16 : i32
        %mul3A_140 = arith.muli %scan3A_138, %mul3A_139 : i32
        %add3A_141 = arith.constant 0 : i32
        %add3A_142 = arith.addi %mul3A_140, %add3A_141 : i32
        %mul3A_143 = arith.constant 16 : i32
        %mul3A_144 = arith.muli %add3A_142, %mul3A_143 : i32
        %swap3A = arith.index_cast %mul3A_144 : i32 to index
        %swap3A_145 = tpu.vector_load %arg6[%swap3A] {strides = array<i32>} : memref<28672xf32, #tpu.memory_space<vmem>>, vector<16xf32>,
        tpu.vector_store %arg6[%swap3A], %broadcast_in_dim3A_1 {strides = array<i32>} : memref<28672xf32, #tpu.memory_space<vmem>>, vector<16xf32>,
        %mul3A_146 = arith.constant 16 : i32
        %mul3A_147 = arith.muli %scan3A_138, %mul3A_146 : i32
        %add3A_148 = arith.constant 1 : i32
        %add3A_149 = arith.addi %mul3A_147, %add3A_148 : i32
        %mul3A_150 = arith.constant 16 : i32
        %mul3A_151 = arith.muli %add3A_149, %mul3A_150 : i32
        %swap3A_152 = arith.index_cast %mul3A_151 : i32 to index
        %swap3A_153 = tpu.vector_load %arg6[%swap3A_152] {strides = array<i32>} : memref<28672xf32, #tpu.memory_space<vmem>>, vector<16xf32>,
        tpu.vector_store %arg6[%swap3A_152], %broadcast_in_dim3A_1 {strides = array<i32>} : memref<28672xf32, #tpu.memory_space<vmem>>, vector<16xf32>,
        %mul3A_154 = arith.constant 16 : i32
        %mul3A_155 = arith.muli %scan3A_138, %mul3A_154 : i32
        %add3A_156 = arith.constant 2 : i32
        %add3A_157 = arith.addi %mul3A_155, %add3A_156 : i32
        %mul3A_158 = arith.constant 16 : i32
        %mul3A_159 = arith.muli %add3A_157, %mul3A_158 : i32
        %swap3A_160 = arith.index_cast %mul3A_159 : i32 to index
        %swap3A_161 = tpu.vector_load %arg6[%swap3A_160] {strides = array<i32>} : memref<28672xf32, #tpu.memory_space<vmem>>, vector<16xf32>,
        tpu.vector_store %arg6[%swap3A_160], %broadcast_in_dim3A_1 {strides = array<i32>} : memref<28672xf32, #tpu.memory_space<vmem>>, vector<16xf32>,
        %mul3A_162 = arith.constant 16 : i32
        %mul3A_163 = arith.muli %scan3A_138, %mul3A_162 : i32
        %add3A_164 = arith.constant 3 : i32
        %add3A_165 = arith.addi %mul3A_163, %add3A_164 : i32
        %mul3A_166 = arith.constant 16 : i32
        %mul3A_167 = arith.muli %add3A_165, %mul3A_166 : i32
        %swap3A_168 = arith.index_cast %mul3A_167 : i32 to index
        %swap3A_169 = tpu.vector_load %arg6[%swap3A_168] {strides = array<i32>} : memref<28672xf32, #tpu.memory_space<vmem>>, vector<16xf32>,
        tpu.vector_store %arg6[%swap3A_168], %broadcast_in_dim3A_1 {strides = array<i32>} : memref<28672xf32, #tpu.memory_space<vmem>>, vector<16xf32>,
        %mul3A_170 = arith.constant 16 : i32
        %mul3A_171 = arith.muli %scan3A_138, %mul3A_170 : i32
        %add3A_172 = arith.constant 4 : i32
        %add3A_173 = arith.addi %mul3A_171, %add3A_172 : i32
        %mul3A_174 = arith.constant 16 : i32
        %mul3A_175 = arith.muli %add3A_173, %mul3A_174 : i32
        %swap3A_176 = arith.index_cast %mul3A_175 : i32 to index
        %swap3A_177 = tpu.vector_load %arg6[%swap3A_176] {strides = array<i32>} : memref<28672xf32, #tpu.memory_space<vmem>>, vector<16xf32>,
        tpu.vector_store %arg6[%swap3A_176], %broadcast_in_dim3A_1 {strides = array<i32>} : memref<28672xf32, #tpu.memory_space<vmem>>, vector<16xf32>,
        %mul3A_178 = arith.constant 16 : i32
        %mul3A_179 = arith.muli %scan3A_138, %mul3A_178 : i32
        %add3A_180 = arith.constant 5 : i32
        %add3A_181 = arith.addi %mul3A_179, %add3A_180 : i32
        %mul3A_182 = arith.constant 16 : i32
        %mul3A_183 = arith.muli %add3A_181, %mul3A_182 : i32
        %swap3A_184 = arith.index_cast %mul3A_183 : i32 to index
        %swap3A_185 = tpu.vector_load %arg6[%swap3A_184] {strides = array<i32>} : memref<28672xf32, #tpu.memory_space<vmem>>, vector<16xf32>,
        tpu.vector_store %arg6[%swap3A_184], %broadcast_in_dim3A_1 {strides = array<i32>} : memref<28672xf32, #tpu.memory_space<vmem>>, vector<16xf32>,
        %mul3A_186 = arith.constant 16 : i32
        %mul3A_187 = arith.muli %scan3A_138, %mul3A_186 : i32
        %add3A_188 = arith.constant 6 : i32
        %add3A_189 = arith.addi %mul3A_187, %add3A_188 : i32
        %mul3A_190 = arith.constant 16 : i32
        %mul3A_191 = arith.muli %add3A_189, %mul3A_190 : i32
        %swap3A_192 = arith.index_cast %mul3A_191 : i32 to index
        %swap3A_193 = tpu.vector_load %arg6[%swap3A_192] {strides = array<i32>} : memref<28672xf32, #tpu.memory_space<vmem>>, vector<16xf32>,
        tpu.vector_store %arg6[%swap3A_192], %broadcast_in_dim3A_1 {strides = array<i32>} : memref<28672xf32, #tpu.memory_space<vmem>>, vector<16xf32>,
        %mul3A_194 = arith.constant 16 : i32
        %mul3A_195 = arith.muli %scan3A_138, %mul3A_194 : i32
        %add3A_196 = arith.constant 7 : i32
        %add3A_197 = arith.addi %mul3A_195, %add3A_196 : i32
        %mul3A_198 = arith.constant 16 : i32
        %mul3A_199 = arith.muli %add3A_197, %mul3A_198 : i32
        %swap3A_200 = arith.index_cast %mul3A_199 : i32 to index
        %swap3A_201 = tpu.vector_load %arg6[%swap3A_200] {strides = array<i32>} : memref<28672xf32, #tpu.memory_space<vmem>>, vector<16xf32>,
        tpu.vector_store %arg6[%swap3A_200], %broadcast_in_dim3A_1 {strides = array<i32>} : memref<28672xf32, #tpu.memory_space<vmem>>, vector<16xf32>,
        %mul3A_202 = arith.constant 16 : i32
        %mul3A_203 = arith.muli %scan3A_138, %mul3A_202 : i32
        %add3A_204 = arith.constant 8 : i32
        %add3A_205 = arith.addi %mul3A_203, %add3A_204 : i32
        %mul3A_206 = arith.constant 16 : i32
        %mul3A_207 = arith.muli %add3A_205, %mul3A_206 : i32
        %swap3A_208 = arith.index_cast %mul3A_207 : i32 to index
        %swap3A_209 = tpu.vector_load %arg6[%swap3A_208] {strides = array<i32>} : memref<28672xf32, #tpu.memory_space<vmem>>, vector<16xf32>,
        tpu.vector_store %arg6[%swap3A_208], %broadcast_in_dim3A_1 {strides = array<i32>} : memref<28672xf32, #tpu.memory_space<vmem>>, vector<16xf32>,
        %mul3A_210 = arith.constant 16 : i32
        %mul3A_211 = arith.muli %scan3A_138, %mul3A_210 : i32
        %add3A_212 = arith.constant 9 : i32
        %add3A_213 = arith.addi %mul3A_211, %add3A_212 : i32
        %mul3A_214 = arith.constant 16 : i32
        %mul3A_215 = arith.muli %add3A_213, %mul3A_214 : i32
        %swap3A_216 = arith.index_cast %mul3A_215 : i32 to index
        %swap3A_217 = tpu.vector_load %arg6[%swap3A_216] {strides = array<i32>} : memref<28672xf32, #tpu.memory_space<vmem>>, vector<16xf32>,
        tpu.vector_store %arg6[%swap3A_216], %broadcast_in_dim3A_1 {strides = array<i32>} : memref<28672xf32, #tpu.memory_space<vmem>>, vector<16xf32>,
        %mul3A_218 = arith.constant 16 : i32
        %mul3A_219 = arith.muli %scan3A_138, %mul3A_218 : i32
        %add3A_220 = arith.constant 10 : i32
        %add3A_221 = arith.addi %mul3A_219, %add3A_220 : i32
        %mul3A_222 = arith.constant 16 : i32
        %mul3A_223 = arith.muli %add3A_221, %mul3A_222 : i32
        %swap3A_224 = arith.index_cast %mul3A_223 : i32 to index
        %swap3A_225 = tpu.vector_load %arg6[%swap3A_224] {strides = array<i32>} : memref<28672xf32, #tpu.memory_space<vmem>>, vector<16xf32>,
        tpu.vector_store %arg6[%swap3A_224], %broadcast_in_dim3A_1 {strides = array<i32>} : memref<28672xf32, #tpu.memory_space<vmem>>, vector<16xf32>,
        %mul3A_226 = arith.constant 16 : i32
        %mul3A_227 = arith.muli %scan3A_138, %mul3A_226 : i32
        %add3A_228 = arith.constant 11 : i32
        %add3A_229 = arith.addi %mul3A_227, %add3A_228 : i32
        %mul3A_230 = arith.constant 16 : i32
        %mul3A_231 = arith.muli %add3A_229, %mul3A_230 : i32
        %swap3A_232 = arith.index_cast %mul3A_231 : i32 to index
        %swap3A_233 = tpu.vector_load %arg6[%swap3A_232] {strides = array<i32>} : memref<28672xf32, #tpu.memory_space<vmem>>, vector<16xf32>,
        tpu.vector_store %arg6[%swap3A_232], %broadcast_in_dim3A_1 {strides = array<i32>} : memref<28672xf32, #tpu.memory_space<vmem>>, vector<16xf32>,
        %mul3A_234 = arith.constant 16 : i32
        %mul3A_235 = arith.muli %scan3A_138, %mul3A_234 : i32
        %add3A_236 = arith.constant 12 : i32
        %add3A_237 = arith.addi %mul3A_235, %add3A_236 : i32
        %mul3A_238 = arith.constant 16 : i32
        %mul3A_239 = arith.muli %add3A_237, %mul3A_238 : i32
        %swap3A_240 = arith.index_cast %mul3A_239 : i32 to index
        %swap3A_241 = tpu.vector_load %arg6[%swap3A_240] {strides = array<i32>} : memref<28672xf32, #tpu.memory_space<vmem>>, vector<16xf32>,
        tpu.vector_store %arg6[%swap3A_240], %broadcast_in_dim3A_1 {strides = array<i32>} : memref<28672xf32, #tpu.memory_space<vmem>>, vector<16xf32>,
        %mul3A_242 = arith.constant 16 : i32
        %mul3A_243 = arith.muli %scan3A_138, %mul3A_242 : i32
        %add3A_244 = arith.constant 13 : i32
        %add3A_245 = arith.addi %mul3A_243, %add3A_244 : i32
        %mul3A_246 = arith.constant 16 : i32
        %mul3A_247 = arith.muli %add3A_245, %mul3A_246 : i32
        %swap3A_248 = arith.index_cast %mul3A_247 : i32 to index
        %swap3A_249 = tpu.vector_load %arg6[%swap3A_248] {strides = array<i32>} : memref<28672xf32, #tpu.memory_space<vmem>>, vector<16xf32>,
        tpu.vector_store %arg6[%swap3A_248], %broadcast_in_dim3A_1 {strides = array<i32>} : memref<28672xf32, #tpu.memory_space<vmem>>, vector<16xf32>,
        %mul3A_250 = arith.constant 16 : i32
        %mul3A_251 = arith.muli %scan3A_138, %mul3A_250 : i32
        %add3A_252 = arith.constant 14 : i32
        %add3A_253 = arith.addi %mul3A_251, %add3A_252 : i32
        %mul3A_254 = arith.constant 16 : i32
        %mul3A_255 = arith.muli %add3A_253, %mul3A_254 : i32
        %swap3A_256 = arith.index_cast %mul3A_255 : i32 to index
        %swap3A_257 = tpu.vector_load %arg6[%swap3A_256] {strides = array<i32>} : memref<28672xf32, #tpu.memory_space<vmem>>, vector<16xf32>,
        tpu.vector_store %arg6[%swap3A_256], %broadcast_in_dim3A_1 {strides = array<i32>} : memref<28672xf32, #tpu.memory_space<vmem>>, vector<16xf32>,
        %mul3A_258 = arith.constant 16 : i32
        %mul3A_259 = arith.muli %scan3A_138, %mul3A_258 : i32
        %add3A_260 = arith.constant 15 : i32
        %add3A_261 = arith.addi %mul3A_259, %add3A_260 : i32
        %mul3A_262 = arith.constant 16 : i32
        %mul3A_263 = arith.muli %add3A_261, %mul3A_262 : i32
        %swap3A_264 = arith.index_cast %mul3A_263 : i32 to index
        %swap3A_265 = tpu.vector_load %arg6[%swap3A_264] {strides = array<i32>} : memref<28672xf32, #tpu.memory_space<vmem>>, vector<16xf32>,
        tpu.vector_store %arg6[%swap3A_264], %broadcast_in_dim3A_1 {strides = array<i32>} : memref<28672xf32, #tpu.memory_space<vmem>>, vector<16xf32>,
      }
      %scan3A_62 = arith.constant 112 : i32
      %dma_wait3A_63 = arith.constant 0 : i32
      %dma_wait3A_64 = tpu.memref_slice %arg2[%dma_wait3A_63] : memref<9633792xi32, #tpu.memory_space<hbm>> -> memref<8256xi32, #tpu.memory_space<hbm>>
      %dma_wait3A_65 = arith.constant 0 : i32
      %dma_wait3A_66 = tpu.memref_slice %arg2[%dma_wait3A_65] : memref<9633792xi32, #tpu.memory_space<hbm>> -> memref<8256xi32, #tpu.memory_space<hbm>>
      tpu.wait_dma2 semaphore(%arg13 : memref<!tpu.dma_semaphore, #tpu.memory_space<semaphore_mem>>) src(%dma_wait3A_66 : memref<8256xi32, #tpu.memory_space<hbm>>) dst(%arg8 : memref<8256xi32, #tpu.memory_space<vmem>>)
      %dma_wait3A_67 = arith.constant 0 : i32
      %dma_wait3A_68 = tpu.memref_slice %arg3[%dma_wait3A_67] : memref<9633792xf32, #tpu.memory_space<hbm>> -> memref<8256xf32, #tpu.memory_space<hbm>>
      %dma_wait3A_69 = arith.constant 0 : i32
      %dma_wait3A_70 = tpu.memref_slice %arg3[%dma_wait3A_69] : memref<9633792xf32, #tpu.memory_space<hbm>> -> memref<8256xf32, #tpu.memory_space<hbm>>
      tpu.wait_dma2 semaphore(%arg15 : memref<!tpu.dma_semaphore, #tpu.memory_space<semaphore_mem>>) src(%dma_wait3A_70 : memref<8256xf32, #tpu.memory_space<hbm>>) dst(%arg10 : memref<8256xf32, #tpu.memory_space<vmem>>)
      %mul3A_71 = arith.constant 42 : i32
      %mul3A_72 = arith.muli %add3A, %mul3A_71 : i32
      %add3A_73 = arith.addi %mul3A_72, %add3A_36 : i32
      %mul3A_74 = arith.constant 28672 : i32
      %mul3A_75 = arith.muli %add3A_73, %mul3A_74 : i32
      %scan3A_76 = arith.constant 0 : i32
      %scan3A_77 = arith.constant 0 : i32
      %scan3A_78 = arith.constant 129 : i32
      %scan3A_79 = arith.addi %scan3A_77, %scan3A_78 : i32
      %scan3A_80 = arith.constant 1 : i32
      scf.for %scan3A_138 = %scan3A_77 to %scan3A_79 step %scan3A_80  : i32 {
        %mul3A_139 = arith.constant 4 : i32
        %mul3A_140 = arith.muli %scan3A_138, %mul3A_139 : i32
        %add3A_141 = arith.constant 0 : i32
        %add3A_142 = arith.addi %mul3A_140, %add3A_141 : i32
        %mul3A_143 = arith.constant 16 : i32
        %mul3A_144 = arith.muli %add3A_142, %mul3A_143 : i32
        %get3A_145 = arith.index_cast %mul3A_144 : i32 to index
        %get3A_146 = tpu.vector_load %arg8[%get3A_145] {strides = array<i32>} : memref<8256xi32, #tpu.memory_space<vmem>>, vector<16xi32>,
        %get3A_147 = arith.index_cast %mul3A_144 : i32 to index
        %get3A_148 = tpu.vector_load %arg10[%get3A_147] {strides = array<i32>} : memref<8256xf32, #tpu.memory_space<vmem>>, vector<16xf32>,
        %and3A_149 = arith.constant 2147483647 : i32
        %and3A_150 = vector.broadcast %and3A_149 : i32 to vector<16xi32>
        %and3A_151 = arith.andi %get3A_146, %and3A_150 : vector<16xi32>
        %sub3A = vector.broadcast %mul3A_75 : i32 to vector<16xi32>
        %sub3A_152 = arith.subi %and3A_151, %sub3A : vector<16xi32>
        %lt3A = arith.constant 0 : i32
        %lt3A_153 = vector.broadcast %lt3A : i32 to vector<16xi32>
        %lt3A_154 = arith.cmpi slt, %get3A_146, %lt3A_153 : vector<16xi32>
        %ge3A_155 = arith.constant 0 : i32
        %ge3A_156 = vector.broadcast %ge3A_155 : i32 to vector<16xi32>
        %ge3A_157 = arith.cmpi sge, %sub3A_152, %ge3A_156 : vector<16xi32>
        %and3A_158 = arith.andi %lt3A_154, %ge3A_157 : vector<16xi1>
        %lt3A_159 = arith.constant 28672 : i32
        %lt3A_160 = vector.broadcast %lt3A_159 : i32 to vector<16xi32>
        %lt3A_161 = arith.cmpi slt, %sub3A_152, %lt3A_160 : vector<16xi32>
        %and3A_162 = arith.andi %and3A_158, %lt3A_161 : vector<16xi1>
        tpu.vector_store_idx %arg6[%sub3A_152], %get3A_148 masked %and3A_162 : memref<28672xf32, #tpu.memory_space<vmem>>[vector<16xi32>], vector<16xf32>, vector<16xi1>
        %mul3A_163 = arith.constant 4 : i32
        %mul3A_164 = arith.muli %scan3A_138, %mul3A_163 : i32
        %add3A_165 = arith.constant 1 : i32
        %add3A_166 = arith.addi %mul3A_164, %add3A_165 : i32
        %mul3A_167 = arith.constant 16 : i32
        %mul3A_168 = arith.muli %add3A_166, %mul3A_167 : i32
        %get3A_169 = arith.index_cast %mul3A_168 : i32 to index
        %get3A_170 = tpu.vector_load %arg8[%get3A_169] {strides = array<i32>} : memref<8256xi32, #tpu.memory_space<vmem>>, vector<16xi32>,
        %get3A_171 = arith.index_cast %mul3A_168 : i32 to index
        %get3A_172 = tpu.vector_load %arg10[%get3A_171] {strides = array<i32>} : memref<8256xf32, #tpu.memory_space<vmem>>, vector<16xf32>,
        %and3A_173 = arith.constant 2147483647 : i32
        %and3A_174 = vector.broadcast %and3A_173 : i32 to vector<16xi32>
        %and3A_175 = arith.andi %get3A_170, %and3A_174 : vector<16xi32>
        %sub3A_176 = vector.broadcast %mul3A_75 : i32 to vector<16xi32>
        %sub3A_177 = arith.subi %and3A_175, %sub3A_176 : vector<16xi32>
        %lt3A_178 = arith.constant 0 : i32
        %lt3A_179 = vector.broadcast %lt3A_178 : i32 to vector<16xi32>
        %lt3A_180 = arith.cmpi slt, %get3A_170, %lt3A_179 : vector<16xi32>
        %ge3A_181 = arith.constant 0 : i32
        %ge3A_182 = vector.broadcast %ge3A_181 : i32 to vector<16xi32>
        %ge3A_183 = arith.cmpi sge, %sub3A_177, %ge3A_182 : vector<16xi32>
        %and3A_184 = arith.andi %lt3A_180, %ge3A_183 : vector<16xi1>
        %lt3A_185 = arith.constant 28672 : i32
        %lt3A_186 = vector.broadcast %lt3A_185 : i32 to vector<16xi32>
        %lt3A_187 = arith.cmpi slt, %sub3A_177, %lt3A_186 : vector<16xi32>
        %and3A_188 = arith.andi %and3A_184, %lt3A_187 : vector<16xi1>
        tpu.vector_store_idx %arg6[%sub3A_177], %get3A_172 masked %and3A_188 : memref<28672xf32, #tpu.memory_space<vmem>>[vector<16xi32>], vector<16xf32>, vector<16xi1>
        %mul3A_189 = arith.constant 4 : i32
        %mul3A_190 = arith.muli %scan3A_138, %mul3A_189 : i32
        %add3A_191 = arith.constant 2 : i32
        %add3A_192 = arith.addi %mul3A_190, %add3A_191 : i32
        %mul3A_193 = arith.constant 16 : i32
        %mul3A_194 = arith.muli %add3A_192, %mul3A_193 : i32
        %get3A_195 = arith.index_cast %mul3A_194 : i32 to index
        %get3A_196 = tpu.vector_load %arg8[%get3A_195] {strides = array<i32>} : memref<8256xi32, #tpu.memory_space<vmem>>, vector<16xi32>,
        %get3A_197 = arith.index_cast %mul3A_194 : i32 to index
        %get3A_198 = tpu.vector_load %arg10[%get3A_197] {strides = array<i32>} : memref<8256xf32, #tpu.memory_space<vmem>>, vector<16xf32>,
        %and3A_199 = arith.constant 2147483647 : i32
        %and3A_200 = vector.broadcast %and3A_199 : i32 to vector<16xi32>
        %and3A_201 = arith.andi %get3A_196, %and3A_200 : vector<16xi32>
        %sub3A_202 = vector.broadcast %mul3A_75 : i32 to vector<16xi32>
        %sub3A_203 = arith.subi %and3A_201, %sub3A_202 : vector<16xi32>
        %lt3A_204 = arith.constant 0 : i32
        %lt3A_205 = vector.broadcast %lt3A_204 : i32 to vector<16xi32>
        %lt3A_206 = arith.cmpi slt, %get3A_196, %lt3A_205 : vector<16xi32>
        %ge3A_207 = arith.constant 0 : i32
        %ge3A_208 = vector.broadcast %ge3A_207 : i32 to vector<16xi32>
        %ge3A_209 = arith.cmpi sge, %sub3A_203, %ge3A_208 : vector<16xi32>
        %and3A_210 = arith.andi %lt3A_206, %ge3A_209 : vector<16xi1>
        %lt3A_211 = arith.constant 28672 : i32
        %lt3A_212 = vector.broadcast %lt3A_211 : i32 to vector<16xi32>
        %lt3A_213 = arith.cmpi slt, %sub3A_203, %lt3A_212 : vector<16xi32>
        %and3A_214 = arith.andi %and3A_210, %lt3A_213 : vector<16xi1>
        tpu.vector_store_idx %arg6[%sub3A_203], %get3A_198 masked %and3A_214 : memref<28672xf32, #tpu.memory_space<vmem>>[vector<16xi32>], vector<16xf32>, vector<16xi1>
        %mul3A_215 = arith.constant 4 : i32
        %mul3A_216 = arith.muli %scan3A_138, %mul3A_215 : i32
        %add3A_217 = arith.constant 3 : i32
        %add3A_218 = arith.addi %mul3A_216, %add3A_217 : i32
        %mul3A_219 = arith.constant 16 : i32
        %mul3A_220 = arith.muli %add3A_218, %mul3A_219 : i32
        %get3A_221 = arith.index_cast %mul3A_220 : i32 to index
        %get3A_222 = tpu.vector_load %arg8[%get3A_221] {strides = array<i32>} : memref<8256xi32, #tpu.memory_space<vmem>>, vector<16xi32>,
        %get3A_223 = arith.index_cast %mul3A_220 : i32 to index
        %get3A_224 = tpu.vector_load %arg10[%get3A_223] {strides = array<i32>} : memref<8256xf32, #tpu.memory_space<vmem>>, vector<16xf32>,
        %and3A_225 = arith.constant 2147483647 : i32
        %and3A_226 = vector.broadcast %and3A_225 : i32 to vector<16xi32>
        %and3A_227 = arith.andi %get3A_222, %and3A_226 : vector<16xi32>
        %sub3A_228 = vector.broadcast %mul3A_75 : i32 to vector<16xi32>
        %sub3A_229 = arith.subi %and3A_227, %sub3A_228 : vector<16xi32>
        %lt3A_230 = arith.constant 0 : i32
        %lt3A_231 = vector.broadcast %lt3A_230 : i32 to vector<16xi32>
        %lt3A_232 = arith.cmpi slt, %get3A_222, %lt3A_231 : vector<16xi32>
        %ge3A_233 = arith.constant 0 : i32
        %ge3A_234 = vector.broadcast %ge3A_233 : i32 to vector<16xi32>
        %ge3A_235 = arith.cmpi sge, %sub3A_229, %ge3A_234 : vector<16xi32>
        %and3A_236 = arith.andi %lt3A_232, %ge3A_235 : vector<16xi1>
        %lt3A_237 = arith.constant 28672 : i32
        %lt3A_238 = vector.broadcast %lt3A_237 : i32 to vector<16xi32>
        %lt3A_239 = arith.cmpi slt, %sub3A_229, %lt3A_238 : vector<16xi32>
        %and3A_240 = arith.andi %and3A_236, %lt3A_239 : vector<16xi1>
        tpu.vector_store_idx %arg6[%sub3A_229], %get3A_224 masked %and3A_240 : memref<28672xf32, #tpu.memory_space<vmem>>[vector<16xi32>], vector<16xf32>, vector<16xi1>
      }
      %scan3A_81 = arith.constant 129 : i32
      %dma_start3A_82 = tpu.memref_slice %arg5[%mul3A_75] : memref<38535168xf32, #tpu.memory_space<hbm>> -> memref<28672xf32, #tpu.memory_space<hbm>>
      %dma_start3A_83 = tpu.memref_slice %arg5[%mul3A_75] : memref<38535168xf32, #tpu.memory_space<hbm>> -> memref<28672xf32, #tpu.memory_space<hbm>>
      tpu.enqueue_dma source(%arg6 : memref<28672xf32, #tpu.memory_space<vmem>>) target(%dma_start3A_83 : memref<28672xf32, #tpu.memory_space<hbm>>) target_semaphore(%arg17 : memref<!tpu.dma_semaphore, #tpu.memory_space<semaphore_mem>>)
      %mul3A_84 = arith.constant 2 : i32
      %mul3A_85 = arith.muli %scan3A_32, %mul3A_84 : i32
      %add3A_86 = arith.constant 1 : i32
      %add3A_87 = arith.addi %mul3A_85, %add3A_86 : i32
      %add3A_88 = arith.constant 1 : i32
      %add3A_89 = arith.addi %add3A_87, %add3A_88 : i32
      %mul3A_90 = arith.constant 42 : i32
      %mul3A_91 = arith.muli %add3A, %mul3A_90 : i32
      %add3A_92 = arith.addi %mul3A_91, %add3A_89 : i32
      %get3A_93 = arith.index_cast %add3A_92 : i32 to index
      %get3A_94 = tpu.vector_load %arg12[%get3A_93] {strides = array<i32>} : memref<1376xi32, #tpu.memory_space<vmem>>, vector<16xi32>,
      %slice3A_95 = vector.extract_strided_slice %get3A_94 {offsets = [0], sizes = [1], strides = [1]} : vector<16xi32> to vector<1xi32>
      %squeeze3A_96 = vector.extract %slice3A_95[0] : i32 from vector<1xi32>
      %and3A_97 = arith.constant -16 : i32
      %and3A_98 = arith.andi %squeeze3A_96, %and3A_97 : i32
      %min3A_99 = arith.constant 9625536 : i32
      %min3A_100 = arith.minsi %and3A_98, %min3A_99 : i32
      %multiple_of3A_101 = tpu.assume_multiple %min3A_100, 16 : i32
      %dma_start3A_102 = tpu.memref_slice %arg2[%multiple_of3A_101] : memref<9633792xi32, #tpu.memory_space<hbm>> -> memref<8256xi32, #tpu.memory_space<hbm>>
      %dma_start3A_103 = tpu.memref_slice %arg2[%multiple_of3A_101] : memref<9633792xi32, #tpu.memory_space<hbm>> -> memref<8256xi32, #tpu.memory_space<hbm>>
      tpu.enqueue_dma source(%dma_start3A_103 : memref<8256xi32, #tpu.memory_space<hbm>>) target(%arg8 : memref<8256xi32, #tpu.memory_space<vmem>>) target_semaphore(%arg13 : memref<!tpu.dma_semaphore, #tpu.memory_space<semaphore_mem>>)
      %dma_start3A_104 = tpu.memref_slice %arg3[%multiple_of3A_101] : memref<9633792xf32, #tpu.memory_space<hbm>> -> memref<8256xf32, #tpu.memory_space<hbm>>
      %dma_start3A_105 = tpu.memref_slice %arg3[%multiple_of3A_101] : memref<9633792xf32, #tpu.memory_space<hbm>> -> memref<8256xf32, #tpu.memory_space<hbm>>
      tpu.enqueue_dma source(%dma_start3A_105 : memref<8256xf32, #tpu.memory_space<hbm>>) target(%arg10 : memref<8256xf32, #tpu.memory_space<vmem>>) target_semaphore(%arg15 : memref<!tpu.dma_semaphore, #tpu.memory_space<semaphore_mem>>)
      %ge3A_106 = arith.constant 2 : i32
      %ge3A_107 = arith.cmpi sge, %add3A_87, %ge3A_106 : i32
      %convert_element_type3A_108 = arith.extui %ge3A_107 : i1 to i32
      %cond3A_109 = arith.constant 0 : i32
      %cond3A_110 = arith.cmpi ne, %convert_element_type3A_108, %cond3A_109 : i32
      scf.if %cond3A_110 {
        %dma_wait3A_138 = arith.constant 0 : i32
        %dma_wait3A_139 = tpu.memref_slice %arg5[%dma_wait3A_138] : memref<38535168xf32, #tpu.memory_space<hbm>> -> memref<28672xf32, #tpu.memory_space<hbm>>
        %dma_wait3A_140 = arith.constant 0 : i32
        %dma_wait3A_141 = tpu.memref_slice %arg5[%dma_wait3A_140] : memref<38535168xf32, #tpu.memory_space<hbm>> -> memref<28672xf32, #tpu.memory_space<hbm>>
        tpu.wait_dma2 semaphore(%arg18 : memref<!tpu.dma_semaphore, #tpu.memory_space<semaphore_mem>>) src(%arg7 : memref<28672xf32, #tpu.memory_space<vmem>>) dst(%dma_wait3A_141 : memref<28672xf32, #tpu.memory_space<hbm>>)
      } else {
      }
      %scan3A_111 = arith.constant 0 : i32
      %scan3A_112 = arith.constant 0 : i32
      %scan3A_113 = arith.constant 112 : i32
      %scan3A_114 = arith.addi %scan3A_112, %scan3A_113 : i32
      %scan3A_115 = arith.constant 1 : i32
      scf.for %scan3A_138 = %scan3A_112 to %scan3A_114 step %scan3A_115  : i32 {
        %mul3A_139 = arith.constant 16 : i32
        %mul3A_140 = arith.muli %scan3A_138, %mul3A_139 : i32
        %add3A_141 = arith.constant 0 : i32
        %add3A_142 = arith.addi %mul3A_140, %add3A_141 : i32
        %mul3A_143 = arith.constant 16 : i32
        %mul3A_144 = arith.muli %add3A_142, %mul3A_143 : i32
        %swap3A = arith.index_cast %mul3A_144 : i32 to index
        %swap3A_145 = tpu.vector_load %arg7[%swap3A] {strides = array<i32>} : memref<28672xf32, #tpu.memory_space<vmem>>, vector<16xf32>,
        tpu.vector_store %arg7[%swap3A], %broadcast_in_dim3A_1 {strides = array<i32>} : memref<28672xf32, #tpu.memory_space<vmem>>, vector<16xf32>,
        %mul3A_146 = arith.constant 16 : i32
        %mul3A_147 = arith.muli %scan3A_138, %mul3A_146 : i32
        %add3A_148 = arith.constant 1 : i32
        %add3A_149 = arith.addi %mul3A_147, %add3A_148 : i32
        %mul3A_150 = arith.constant 16 : i32
        %mul3A_151 = arith.muli %add3A_149, %mul3A_150 : i32
        %swap3A_152 = arith.index_cast %mul3A_151 : i32 to index
        %swap3A_153 = tpu.vector_load %arg7[%swap3A_152] {strides = array<i32>} : memref<28672xf32, #tpu.memory_space<vmem>>, vector<16xf32>,
        tpu.vector_store %arg7[%swap3A_152], %broadcast_in_dim3A_1 {strides = array<i32>} : memref<28672xf32, #tpu.memory_space<vmem>>, vector<16xf32>,
        %mul3A_154 = arith.constant 16 : i32
        %mul3A_155 = arith.muli %scan3A_138, %mul3A_154 : i32
        %add3A_156 = arith.constant 2 : i32
        %add3A_157 = arith.addi %mul3A_155, %add3A_156 : i32
        %mul3A_158 = arith.constant 16 : i32
        %mul3A_159 = arith.muli %add3A_157, %mul3A_158 : i32
        %swap3A_160 = arith.index_cast %mul3A_159 : i32 to index
        %swap3A_161 = tpu.vector_load %arg7[%swap3A_160] {strides = array<i32>} : memref<28672xf32, #tpu.memory_space<vmem>>, vector<16xf32>,
        tpu.vector_store %arg7[%swap3A_160], %broadcast_in_dim3A_1 {strides = array<i32>} : memref<28672xf32, #tpu.memory_space<vmem>>, vector<16xf32>,
        %mul3A_162 = arith.constant 16 : i32
        %mul3A_163 = arith.muli %scan3A_138, %mul3A_162 : i32
        %add3A_164 = arith.constant 3 : i32
        %add3A_165 = arith.addi %mul3A_163, %add3A_164 : i32
        %mul3A_166 = arith.constant 16 : i32
        %mul3A_167 = arith.muli %add3A_165, %mul3A_166 : i32
        %swap3A_168 = arith.index_cast %mul3A_167 : i32 to index
        %swap3A_169 = tpu.vector_load %arg7[%swap3A_168] {strides = array<i32>} : memref<28672xf32, #tpu.memory_space<vmem>>, vector<16xf32>,
        tpu.vector_store %arg7[%swap3A_168], %broadcast_in_dim3A_1 {strides = array<i32>} : memref<28672xf32, #tpu.memory_space<vmem>>, vector<16xf32>,
        %mul3A_170 = arith.constant 16 : i32
        %mul3A_171 = arith.muli %scan3A_138, %mul3A_170 : i32
        %add3A_172 = arith.constant 4 : i32
        %add3A_173 = arith.addi %mul3A_171, %add3A_172 : i32
        %mul3A_174 = arith.constant 16 : i32
        %mul3A_175 = arith.muli %add3A_173, %mul3A_174 : i32
        %swap3A_176 = arith.index_cast %mul3A_175 : i32 to index
        %swap3A_177 = tpu.vector_load %arg7[%swap3A_176] {strides = array<i32>} : memref<28672xf32, #tpu.memory_space<vmem>>, vector<16xf32>,
        tpu.vector_store %arg7[%swap3A_176], %broadcast_in_dim3A_1 {strides = array<i32>} : memref<28672xf32, #tpu.memory_space<vmem>>, vector<16xf32>,
        %mul3A_178 = arith.constant 16 : i32
        %mul3A_179 = arith.muli %scan3A_138, %mul3A_178 : i32
        %add3A_180 = arith.constant 5 : i32
        %add3A_181 = arith.addi %mul3A_179, %add3A_180 : i32
        %mul3A_182 = arith.constant 16 : i32
        %mul3A_183 = arith.muli %add3A_181, %mul3A_182 : i32
        %swap3A_184 = arith.index_cast %mul3A_183 : i32 to index
        %swap3A_185 = tpu.vector_load %arg7[%swap3A_184] {strides = array<i32>} : memref<28672xf32, #tpu.memory_space<vmem>>, vector<16xf32>,
        tpu.vector_store %arg7[%swap3A_184], %broadcast_in_dim3A_1 {strides = array<i32>} : memref<28672xf32, #tpu.memory_space<vmem>>, vector<16xf32>,
        %mul3A_186 = arith.constant 16 : i32
        %mul3A_187 = arith.muli %scan3A_138, %mul3A_186 : i32
        %add3A_188 = arith.constant 6 : i32
        %add3A_189 = arith.addi %mul3A_187, %add3A_188 : i32
        %mul3A_190 = arith.constant 16 : i32
        %mul3A_191 = arith.muli %add3A_189, %mul3A_190 : i32
        %swap3A_192 = arith.index_cast %mul3A_191 : i32 to index
        %swap3A_193 = tpu.vector_load %arg7[%swap3A_192] {strides = array<i32>} : memref<28672xf32, #tpu.memory_space<vmem>>, vector<16xf32>,
        tpu.vector_store %arg7[%swap3A_192], %broadcast_in_dim3A_1 {strides = array<i32>} : memref<28672xf32, #tpu.memory_space<vmem>>, vector<16xf32>,
        %mul3A_194 = arith.constant 16 : i32
        %mul3A_195 = arith.muli %scan3A_138, %mul3A_194 : i32
        %add3A_196 = arith.constant 7 : i32
        %add3A_197 = arith.addi %mul3A_195, %add3A_196 : i32
        %mul3A_198 = arith.constant 16 : i32
        %mul3A_199 = arith.muli %add3A_197, %mul3A_198 : i32
        %swap3A_200 = arith.index_cast %mul3A_199 : i32 to index
        %swap3A_201 = tpu.vector_load %arg7[%swap3A_200] {strides = array<i32>} : memref<28672xf32, #tpu.memory_space<vmem>>, vector<16xf32>,
        tpu.vector_store %arg7[%swap3A_200], %broadcast_in_dim3A_1 {strides = array<i32>} : memref<28672xf32, #tpu.memory_space<vmem>>, vector<16xf32>,
        %mul3A_202 = arith.constant 16 : i32
        %mul3A_203 = arith.muli %scan3A_138, %mul3A_202 : i32
        %add3A_204 = arith.constant 8 : i32
        %add3A_205 = arith.addi %mul3A_203, %add3A_204 : i32
        %mul3A_206 = arith.constant 16 : i32
        %mul3A_207 = arith.muli %add3A_205, %mul3A_206 : i32
        %swap3A_208 = arith.index_cast %mul3A_207 : i32 to index
        %swap3A_209 = tpu.vector_load %arg7[%swap3A_208] {strides = array<i32>} : memref<28672xf32, #tpu.memory_space<vmem>>, vector<16xf32>,
        tpu.vector_store %arg7[%swap3A_208], %broadcast_in_dim3A_1 {strides = array<i32>} : memref<28672xf32, #tpu.memory_space<vmem>>, vector<16xf32>,
        %mul3A_210 = arith.constant 16 : i32
        %mul3A_211 = arith.muli %scan3A_138, %mul3A_210 : i32
        %add3A_212 = arith.constant 9 : i32
        %add3A_213 = arith.addi %mul3A_211, %add3A_212 : i32
        %mul3A_214 = arith.constant 16 : i32
        %mul3A_215 = arith.muli %add3A_213, %mul3A_214 : i32
        %swap3A_216 = arith.index_cast %mul3A_215 : i32 to index
        %swap3A_217 = tpu.vector_load %arg7[%swap3A_216] {strides = array<i32>} : memref<28672xf32, #tpu.memory_space<vmem>>, vector<16xf32>,
        tpu.vector_store %arg7[%swap3A_216], %broadcast_in_dim3A_1 {strides = array<i32>} : memref<28672xf32, #tpu.memory_space<vmem>>, vector<16xf32>,
        %mul3A_218 = arith.constant 16 : i32
        %mul3A_219 = arith.muli %scan3A_138, %mul3A_218 : i32
        %add3A_220 = arith.constant 10 : i32
        %add3A_221 = arith.addi %mul3A_219, %add3A_220 : i32
        %mul3A_222 = arith.constant 16 : i32
        %mul3A_223 = arith.muli %add3A_221, %mul3A_222 : i32
        %swap3A_224 = arith.index_cast %mul3A_223 : i32 to index
        %swap3A_225 = tpu.vector_load %arg7[%swap3A_224] {strides = array<i32>} : memref<28672xf32, #tpu.memory_space<vmem>>, vector<16xf32>,
        tpu.vector_store %arg7[%swap3A_224], %broadcast_in_dim3A_1 {strides = array<i32>} : memref<28672xf32, #tpu.memory_space<vmem>>, vector<16xf32>,
        %mul3A_226 = arith.constant 16 : i32
        %mul3A_227 = arith.muli %scan3A_138, %mul3A_226 : i32
        %add3A_228 = arith.constant 11 : i32
        %add3A_229 = arith.addi %mul3A_227, %add3A_228 : i32
        %mul3A_230 = arith.constant 16 : i32
        %mul3A_231 = arith.muli %add3A_229, %mul3A_230 : i32
        %swap3A_232 = arith.index_cast %mul3A_231 : i32 to index
        %swap3A_233 = tpu.vector_load %arg7[%swap3A_232] {strides = array<i32>} : memref<28672xf32, #tpu.memory_space<vmem>>, vector<16xf32>,
        tpu.vector_store %arg7[%swap3A_232], %broadcast_in_dim3A_1 {strides = array<i32>} : memref<28672xf32, #tpu.memory_space<vmem>>, vector<16xf32>,
        %mul3A_234 = arith.constant 16 : i32
        %mul3A_235 = arith.muli %scan3A_138, %mul3A_234 : i32
        %add3A_236 = arith.constant 12 : i32
        %add3A_237 = arith.addi %mul3A_235, %add3A_236 : i32
        %mul3A_238 = arith.constant 16 : i32
        %mul3A_239 = arith.muli %add3A_237, %mul3A_238 : i32
        %swap3A_240 = arith.index_cast %mul3A_239 : i32 to index
        %swap3A_241 = tpu.vector_load %arg7[%swap3A_240] {strides = array<i32>} : memref<28672xf32, #tpu.memory_space<vmem>>, vector<16xf32>,
        tpu.vector_store %arg7[%swap3A_240], %broadcast_in_dim3A_1 {strides = array<i32>} : memref<28672xf32, #tpu.memory_space<vmem>>, vector<16xf32>,
        %mul3A_242 = arith.constant 16 : i32
        %mul3A_243 = arith.muli %scan3A_138, %mul3A_242 : i32
        %add3A_244 = arith.constant 13 : i32
        %add3A_245 = arith.addi %mul3A_243, %add3A_244 : i32
        %mul3A_246 = arith.constant 16 : i32
        %mul3A_247 = arith.muli %add3A_245, %mul3A_246 : i32
        %swap3A_248 = arith.index_cast %mul3A_247 : i32 to index
        %swap3A_249 = tpu.vector_load %arg7[%swap3A_248] {strides = array<i32>} : memref<28672xf32, #tpu.memory_space<vmem>>, vector<16xf32>,
        tpu.vector_store %arg7[%swap3A_248], %broadcast_in_dim3A_1 {strides = array<i32>} : memref<28672xf32, #tpu.memory_space<vmem>>, vector<16xf32>,
        %mul3A_250 = arith.constant 16 : i32
        %mul3A_251 = arith.muli %scan3A_138, %mul3A_250 : i32
        %add3A_252 = arith.constant 14 : i32
        %add3A_253 = arith.addi %mul3A_251, %add3A_252 : i32
        %mul3A_254 = arith.constant 16 : i32
        %mul3A_255 = arith.muli %add3A_253, %mul3A_254 : i32
        %swap3A_256 = arith.index_cast %mul3A_255 : i32 to index
        %swap3A_257 = tpu.vector_load %arg7[%swap3A_256] {strides = array<i32>} : memref<28672xf32, #tpu.memory_space<vmem>>, vector<16xf32>,
        tpu.vector_store %arg7[%swap3A_256], %broadcast_in_dim3A_1 {strides = array<i32>} : memref<28672xf32, #tpu.memory_space<vmem>>, vector<16xf32>,
        %mul3A_258 = arith.constant 16 : i32
        %mul3A_259 = arith.muli %scan3A_138, %mul3A_258 : i32
        %add3A_260 = arith.constant 15 : i32
        %add3A_261 = arith.addi %mul3A_259, %add3A_260 : i32
        %mul3A_262 = arith.constant 16 : i32
        %mul3A_263 = arith.muli %add3A_261, %mul3A_262 : i32
        %swap3A_264 = arith.index_cast %mul3A_263 : i32 to index
        %swap3A_265 = tpu.vector_load %arg7[%swap3A_264] {strides = array<i32>} : memref<28672xf32, #tpu.memory_space<vmem>>, vector<16xf32>,
        tpu.vector_store %arg7[%swap3A_264], %broadcast_in_dim3A_1 {strides = array<i32>} : memref<28672xf32, #tpu.memory_space<vmem>>, vector<16xf32>,
      }
      %scan3A_116 = arith.constant 112 : i32
      %dma_wait3A_117 = arith.constant 0 : i32
      %dma_wait3A_118 = tpu.memref_slice %arg2[%dma_wait3A_117] : memref<9633792xi32, #tpu.memory_space<hbm>> -> memref<8256xi32, #tpu.memory_space<hbm>>
      %dma_wait3A_119 = arith.constant 0 : i32
      %dma_wait3A_120 = tpu.memref_slice %arg2[%dma_wait3A_119] : memref<9633792xi32, #tpu.memory_space<hbm>> -> memref<8256xi32, #tpu.memory_space<hbm>>
      tpu.wait_dma2 semaphore(%arg14 : memref<!tpu.dma_semaphore, #tpu.memory_space<semaphore_mem>>) src(%dma_wait3A_120 : memref<8256xi32, #tpu.memory_space<hbm>>) dst(%arg9 : memref<8256xi32, #tpu.memory_space<vmem>>)
      %dma_wait3A_121 = arith.constant 0 : i32
      %dma_wait3A_122 = tpu.memref_slice %arg3[%dma_wait3A_121] : memref<9633792xf32, #tpu.memory_space<hbm>> -> memref<8256xf32, #tpu.memory_space<hbm>>
      %dma_wait3A_123 = arith.constant 0 : i32
      %dma_wait3A_124 = tpu.memref_slice %arg3[%dma_wait3A_123] : memref<9633792xf32, #tpu.memory_space<hbm>> -> memref<8256xf32, #tpu.memory_space<hbm>>
      tpu.wait_dma2 semaphore(%arg16 : memref<!tpu.dma_semaphore, #tpu.memory_space<semaphore_mem>>) src(%dma_wait3A_124 : memref<8256xf32, #tpu.memory_space<hbm>>) dst(%arg11 : memref<8256xf32, #tpu.memory_space<vmem>>)
      %mul3A_125 = arith.constant 42 : i32
      %mul3A_126 = arith.muli %add3A, %mul3A_125 : i32
      %add3A_127 = arith.addi %mul3A_126, %add3A_87 : i32
      %mul3A_128 = arith.constant 28672 : i32
      %mul3A_129 = arith.muli %add3A_127, %mul3A_128 : i32
      %scan3A_130 = arith.constant 0 : i32
      %scan3A_131 = arith.constant 0 : i32
      %scan3A_132 = arith.constant 129 : i32
      %scan3A_133 = arith.addi %scan3A_131, %scan3A_132 : i32
      %scan3A_134 = arith.constant 1 : i32
      scf.for %scan3A_138 = %scan3A_131 to %scan3A_133 step %scan3A_134  : i32 {
        %mul3A_139 = arith.constant 4 : i32
        %mul3A_140 = arith.muli %scan3A_138, %mul3A_139 : i32
        %add3A_141 = arith.constant 0 : i32
        %add3A_142 = arith.addi %mul3A_140, %add3A_141 : i32
        %mul3A_143 = arith.constant 16 : i32
        %mul3A_144 = arith.muli %add3A_142, %mul3A_143 : i32
        %get3A_145 = arith.index_cast %mul3A_144 : i32 to index
        %get3A_146 = tpu.vector_load %arg9[%get3A_145] {strides = array<i32>} : memref<8256xi32, #tpu.memory_space<vmem>>, vector<16xi32>,
        %get3A_147 = arith.index_cast %mul3A_144 : i32 to index
        %get3A_148 = tpu.vector_load %arg11[%get3A_147] {strides = array<i32>} : memref<8256xf32, #tpu.memory_space<vmem>>, vector<16xf32>,
        %and3A_149 = arith.constant 2147483647 : i32
        %and3A_150 = vector.broadcast %and3A_149 : i32 to vector<16xi32>
        %and3A_151 = arith.andi %get3A_146, %and3A_150 : vector<16xi32>
        %sub3A = vector.broadcast %mul3A_129 : i32 to vector<16xi32>
        %sub3A_152 = arith.subi %and3A_151, %sub3A : vector<16xi32>
        %lt3A = arith.constant 0 : i32
        %lt3A_153 = vector.broadcast %lt3A : i32 to vector<16xi32>
        %lt3A_154 = arith.cmpi slt, %get3A_146, %lt3A_153 : vector<16xi32>
        %ge3A_155 = arith.constant 0 : i32
        %ge3A_156 = vector.broadcast %ge3A_155 : i32 to vector<16xi32>
        %ge3A_157 = arith.cmpi sge, %sub3A_152, %ge3A_156 : vector<16xi32>
        %and3A_158 = arith.andi %lt3A_154, %ge3A_157 : vector<16xi1>
        %lt3A_159 = arith.constant 28672 : i32
        %lt3A_160 = vector.broadcast %lt3A_159 : i32 to vector<16xi32>
        %lt3A_161 = arith.cmpi slt, %sub3A_152, %lt3A_160 : vector<16xi32>
        %and3A_162 = arith.andi %and3A_158, %lt3A_161 : vector<16xi1>
        tpu.vector_store_idx %arg7[%sub3A_152], %get3A_148 masked %and3A_162 : memref<28672xf32, #tpu.memory_space<vmem>>[vector<16xi32>], vector<16xf32>, vector<16xi1>
        %mul3A_163 = arith.constant 4 : i32
        %mul3A_164 = arith.muli %scan3A_138, %mul3A_163 : i32
        %add3A_165 = arith.constant 1 : i32
        %add3A_166 = arith.addi %mul3A_164, %add3A_165 : i32
        %mul3A_167 = arith.constant 16 : i32
        %mul3A_168 = arith.muli %add3A_166, %mul3A_167 : i32
        %get3A_169 = arith.index_cast %mul3A_168 : i32 to index
        %get3A_170 = tpu.vector_load %arg9[%get3A_169] {strides = array<i32>} : memref<8256xi32, #tpu.memory_space<vmem>>, vector<16xi32>,
        %get3A_171 = arith.index_cast %mul3A_168 : i32 to index
        %get3A_172 = tpu.vector_load %arg11[%get3A_171] {strides = array<i32>} : memref<8256xf32, #tpu.memory_space<vmem>>, vector<16xf32>,
        %and3A_173 = arith.constant 2147483647 : i32
        %and3A_174 = vector.broadcast %and3A_173 : i32 to vector<16xi32>
        %and3A_175 = arith.andi %get3A_170, %and3A_174 : vector<16xi32>
        %sub3A_176 = vector.broadcast %mul3A_129 : i32 to vector<16xi32>
        %sub3A_177 = arith.subi %and3A_175, %sub3A_176 : vector<16xi32>
        %lt3A_178 = arith.constant 0 : i32
        %lt3A_179 = vector.broadcast %lt3A_178 : i32 to vector<16xi32>
        %lt3A_180 = arith.cmpi slt, %get3A_170, %lt3A_179 : vector<16xi32>
        %ge3A_181 = arith.constant 0 : i32
        %ge3A_182 = vector.broadcast %ge3A_181 : i32 to vector<16xi32>
        %ge3A_183 = arith.cmpi sge, %sub3A_177, %ge3A_182 : vector<16xi32>
        %and3A_184 = arith.andi %lt3A_180, %ge3A_183 : vector<16xi1>
        %lt3A_185 = arith.constant 28672 : i32
        %lt3A_186 = vector.broadcast %lt3A_185 : i32 to vector<16xi32>
        %lt3A_187 = arith.cmpi slt, %sub3A_177, %lt3A_186 : vector<16xi32>
        %and3A_188 = arith.andi %and3A_184, %lt3A_187 : vector<16xi1>
        tpu.vector_store_idx %arg7[%sub3A_177], %get3A_172 masked %and3A_188 : memref<28672xf32, #tpu.memory_space<vmem>>[vector<16xi32>], vector<16xf32>, vector<16xi1>
        %mul3A_189 = arith.constant 4 : i32
        %mul3A_190 = arith.muli %scan3A_138, %mul3A_189 : i32
        %add3A_191 = arith.constant 2 : i32
        %add3A_192 = arith.addi %mul3A_190, %add3A_191 : i32
        %mul3A_193 = arith.constant 16 : i32
        %mul3A_194 = arith.muli %add3A_192, %mul3A_193 : i32
        %get3A_195 = arith.index_cast %mul3A_194 : i32 to index
        %get3A_196 = tpu.vector_load %arg9[%get3A_195] {strides = array<i32>} : memref<8256xi32, #tpu.memory_space<vmem>>, vector<16xi32>,
        %get3A_197 = arith.index_cast %mul3A_194 : i32 to index
        %get3A_198 = tpu.vector_load %arg11[%get3A_197] {strides = array<i32>} : memref<8256xf32, #tpu.memory_space<vmem>>, vector<16xf32>,
        %and3A_199 = arith.constant 2147483647 : i32
        %and3A_200 = vector.broadcast %and3A_199 : i32 to vector<16xi32>
        %and3A_201 = arith.andi %get3A_196, %and3A_200 : vector<16xi32>
        %sub3A_202 = vector.broadcast %mul3A_129 : i32 to vector<16xi32>
        %sub3A_203 = arith.subi %and3A_201, %sub3A_202 : vector<16xi32>
        %lt3A_204 = arith.constant 0 : i32
        %lt3A_205 = vector.broadcast %lt3A_204 : i32 to vector<16xi32>
        %lt3A_206 = arith.cmpi slt, %get3A_196, %lt3A_205 : vector<16xi32>
        %ge3A_207 = arith.constant 0 : i32
        %ge3A_208 = vector.broadcast %ge3A_207 : i32 to vector<16xi32>
        %ge3A_209 = arith.cmpi sge, %sub3A_203, %ge3A_208 : vector<16xi32>
        %and3A_210 = arith.andi %lt3A_206, %ge3A_209 : vector<16xi1>
        %lt3A_211 = arith.constant 28672 : i32
        %lt3A_212 = vector.broadcast %lt3A_211 : i32 to vector<16xi32>
        %lt3A_213 = arith.cmpi slt, %sub3A_203, %lt3A_212 : vector<16xi32>
        %and3A_214 = arith.andi %and3A_210, %lt3A_213 : vector<16xi1>
        tpu.vector_store_idx %arg7[%sub3A_203], %get3A_198 masked %and3A_214 : memref<28672xf32, #tpu.memory_space<vmem>>[vector<16xi32>], vector<16xf32>, vector<16xi1>
        %mul3A_215 = arith.constant 4 : i32
        %mul3A_216 = arith.muli %scan3A_138, %mul3A_215 : i32
        %add3A_217 = arith.constant 3 : i32
        %add3A_218 = arith.addi %mul3A_216, %add3A_217 : i32
        %mul3A_219 = arith.constant 16 : i32
        %mul3A_220 = arith.muli %add3A_218, %mul3A_219 : i32
        %get3A_221 = arith.index_cast %mul3A_220 : i32 to index
        %get3A_222 = tpu.vector_load %arg9[%get3A_221] {strides = array<i32>} : memref<8256xi32, #tpu.memory_space<vmem>>, vector<16xi32>,
        %get3A_223 = arith.index_cast %mul3A_220 : i32 to index
        %get3A_224 = tpu.vector_load %arg11[%get3A_223] {strides = array<i32>} : memref<8256xf32, #tpu.memory_space<vmem>>, vector<16xf32>,
        %and3A_225 = arith.constant 2147483647 : i32
        %and3A_226 = vector.broadcast %and3A_225 : i32 to vector<16xi32>
        %and3A_227 = arith.andi %get3A_222, %and3A_226 : vector<16xi32>
        %sub3A_228 = vector.broadcast %mul3A_129 : i32 to vector<16xi32>
        %sub3A_229 = arith.subi %and3A_227, %sub3A_228 : vector<16xi32>
        %lt3A_230 = arith.constant 0 : i32
        %lt3A_231 = vector.broadcast %lt3A_230 : i32 to vector<16xi32>
        %lt3A_232 = arith.cmpi slt, %get3A_222, %lt3A_231 : vector<16xi32>
        %ge3A_233 = arith.constant 0 : i32
        %ge3A_234 = vector.broadcast %ge3A_233 : i32 to vector<16xi32>
        %ge3A_235 = arith.cmpi sge, %sub3A_229, %ge3A_234 : vector<16xi32>
        %and3A_236 = arith.andi %lt3A_232, %ge3A_235 : vector<16xi1>
        %lt3A_237 = arith.constant 28672 : i32
        %lt3A_238 = vector.broadcast %lt3A_237 : i32 to vector<16xi32>
        %lt3A_239 = arith.cmpi slt, %sub3A_229, %lt3A_238 : vector<16xi32>
        %and3A_240 = arith.andi %and3A_236, %lt3A_239 : vector<16xi1>
        tpu.vector_store_idx %arg7[%sub3A_229], %get3A_224 masked %and3A_240 : memref<28672xf32, #tpu.memory_space<vmem>>[vector<16xi32>], vector<16xf32>, vector<16xi1>
      }
      %scan3A_135 = arith.constant 129 : i32
      %dma_start3A_136 = tpu.memref_slice %arg5[%mul3A_129] : memref<38535168xf32, #tpu.memory_space<hbm>> -> memref<28672xf32, #tpu.memory_space<hbm>>
      %dma_start3A_137 = tpu.memref_slice %arg5[%mul3A_129] : memref<38535168xf32, #tpu.memory_space<hbm>> -> memref<28672xf32, #tpu.memory_space<hbm>>
      tpu.enqueue_dma source(%arg7 : memref<28672xf32, #tpu.memory_space<vmem>>) target(%dma_start3A_137 : memref<28672xf32, #tpu.memory_space<hbm>>) target_semaphore(%arg18 : memref<!tpu.dma_semaphore, #tpu.memory_space<semaphore_mem>>)
    }
    %scan3A_16 = arith.constant 21 : i32
    %dma_wait3A = arith.constant 0 : i32
    %dma_wait3A_17 = tpu.memref_slice %arg2[%dma_wait3A] : memref<9633792xi32, #tpu.memory_space<hbm>> -> memref<8256xi32, #tpu.memory_space<hbm>>
    %dma_wait3A_18 = arith.constant 0 : i32
    %dma_wait3A_19 = tpu.memref_slice %arg2[%dma_wait3A_18] : memref<9633792xi32, #tpu.memory_space<hbm>> -> memref<8256xi32, #tpu.memory_space<hbm>>
    tpu.wait_dma2 semaphore(%arg13 : memref<!tpu.dma_semaphore, #tpu.memory_space<semaphore_mem>>) src(%dma_wait3A_19 : memref<8256xi32, #tpu.memory_space<hbm>>) dst(%arg8 : memref<8256xi32, #tpu.memory_space<vmem>>)
    %dma_wait3A_20 = arith.constant 0 : i32
    %dma_wait3A_21 = tpu.memref_slice %arg3[%dma_wait3A_20] : memref<9633792xf32, #tpu.memory_space<hbm>> -> memref<8256xf32, #tpu.memory_space<hbm>>
    %dma_wait3A_22 = arith.constant 0 : i32
    %dma_wait3A_23 = tpu.memref_slice %arg3[%dma_wait3A_22] : memref<9633792xf32, #tpu.memory_space<hbm>> -> memref<8256xf32, #tpu.memory_space<hbm>>
    tpu.wait_dma2 semaphore(%arg15 : memref<!tpu.dma_semaphore, #tpu.memory_space<semaphore_mem>>) src(%dma_wait3A_23 : memref<8256xf32, #tpu.memory_space<hbm>>) dst(%arg10 : memref<8256xf32, #tpu.memory_space<vmem>>)
    %dma_wait3A_24 = arith.constant 0 : i32
    %dma_wait3A_25 = tpu.memref_slice %arg5[%dma_wait3A_24] : memref<38535168xf32, #tpu.memory_space<hbm>> -> memref<28672xf32, #tpu.memory_space<hbm>>
    %dma_wait3A_26 = arith.constant 0 : i32
    %dma_wait3A_27 = tpu.memref_slice %arg5[%dma_wait3A_26] : memref<38535168xf32, #tpu.memory_space<hbm>> -> memref<28672xf32, #tpu.memory_space<hbm>>
    tpu.wait_dma2 semaphore(%arg17 : memref<!tpu.dma_semaphore, #tpu.memory_space<semaphore_mem>>) src(%arg6 : memref<28672xf32, #tpu.memory_space<vmem>>) dst(%dma_wait3A_27 : memref<28672xf32, #tpu.memory_space<hbm>>)
    %dma_wait3A_28 = arith.constant 0 : i32
    %dma_wait3A_29 = tpu.memref_slice %arg5[%dma_wait3A_28] : memref<38535168xf32, #tpu.memory_space<hbm>> -> memref<28672xf32, #tpu.memory_space<hbm>>
    %dma_wait3A_30 = arith.constant 0 : i32
    %dma_wait3A_31 = tpu.memref_slice %arg5[%dma_wait3A_30] : memref<38535168xf32, #tpu.memory_space<hbm>> -> memref<28672xf32, #tpu.memory_space<hbm>>
    tpu.wait_dma2 semaphore(%arg18 : memref<!tpu.dma_semaphore, #tpu.memory_space<semaphore_mem>>) src(%arg7 : memref<28672xf32, #tpu.memory_space<vmem>>) dst(%dma_wait3A_31 : memref<28672xf32, #tpu.memory_space<hbm>>)
    return
  }
}

</mosaic_0001>

<sc_bundles>
// kernel: kernel.3.cloned.1.call-start
scs
__scs_entry_jumppad:
0x0: {  	(pc) =	sbr.rel $0x88, $3  }
0x1: {  	(tag) =	ssettag $0x0;
	lr =	simm.s32 $0x1  }
0x2: {  	[smem:$0x3F9F] =	sst lr;
	_ =	strace $0xD0000000  }
0x3: {  	_ = 	snop  }
0x4: {  	_ = 	snop  }
0x5: {  	_ = 	snop  }
0x6: {  	_ = 	snop  }
0x7: {  	_ = 	snop  }
__scs_overlays_trampoline_lowered:
0x8: {  	[smem:$0x3FAE] =	sst s0  }
0x9: {  	[smem:$0x3FAF] =	sst s1  }
0xa: {  	[smem:$0x3FB0] =	sst s2  }
0xb: {  	[smem:$0x3FB1] =	sst s3  }
0xc: {  	[smem:$0x3FB2] =	sst s4  }
0xd: {  	[smem:$0x3FB3] =	sst s5  }
0xe: {  	[smem:$0x3FB4] =	sst s6  }
0xf: {  	[smem:$0x3FB5] =	sst s7  }
0x10: {  	[smem:$0x3FB6] =	sst s8  }
0x11: {  	[smem:$0x3FB7] =	sst s9;
	s0 =	simm.s32 @!p0 $0x0  }
0x12: {  	s1 =	sld [smem:$0x3F9D];
	s0 =	simm.s32 @p0 $0x1  }
0x13: {  	[smem:$0x3FB8] =	sst s0;
	s0 =	simm.s32 @!p1 $0x0  }
0x14: {  	s2 =	sld [smem:$0x3F9C];
	s0 =	simm.s32 @p1 $0x1  }
0x15: {  	[smem:$0x3FB9] =	sst s0;
	s0 =	simm.s32 @!p2 $0x0  }
0x16: {  	s3 =	sld [smem:$0x3FDB];
	s0 =	simm.s32 @p2 $0x1  }
0x17: {  	s4 =	simm.s32 $0x1BF5;
	[smem:$0x3FBB] =	sst s0  }
0x18: {  	s0 =	sld [smem:$0x3F9E];
	_ =	swait.ge [sflag:s4], $0x0  }
0x19: {  	s7 =	sld [smem:$0x3F9F]  }
0x1a: {  	s8 =	sadd.s32 $0xFFFFE003, lr  }
0x1b: {  	s9 =	sadd.s32 $0xFFFFFEF7, lr;
	s5 =	simm.s32 $0xFFFFFFFF;
	p2 =	slt.u32 s8, $0xFFFFF086  }
0x1c: {  	p1 =	slt.u32 s9, $0xF7A;
	s5 =	simm.s32 @!p2 $0x0  }
0x1d: {  	s5 =	simm.s32 @p1 $0x1;
	p0 =	seq.s32 s7, s2  }
0x1e: {  	s7 =	smul.u32 @!p0 $0xF7A, s2;
	p2 =	seq.s32 @!p0 s5, $0x0  }
0x1f: {  	s9 =	smul.u32 $0xF7A, s1;
	s8 =	simm.s32 @!p0 $0x1BF5;
	p2 =	por !p2, p0  }
0x20: {  	[sflag:s8] =	ssyncset.s32 @!p0 $0xFFFFF086;
	s6 =	sadd.s32 @!p0 s3, s7;
	s7 =	simm.s32 @!p0 $0x108  }
0x21: {  	s3 =	sadd.s32 s3, s9;
	s6 =	sadd.s32 @!p0 $0x88, s6;
	s7 =	simm.s32 @p2 $0x1082  }
0x22: {  	[simem:s7], [sflag:s8] =	dma.local @!p0 [hbm:s6], $0xF7A  }
0x23: {  	s9 =	sor.u32 $0xD0000000, s2;
	s6 =	simm.s32 $0x108;
	_ =	swait.ge @!p0 [sflag:s8], $0x0  }
0x24: {  	s3 =	sadd.s32 $0x88, s3;
	s6 =	simm.s32 @!p1 $0x1082;
	[sflag:s4] =	ssyncset.s32 $0xFFFFF086  }
0x25: {  	[simem:s6], [sflag:s4] =	dma.local [hbm:s3], $0xF7A  }
0x26: {  	[smem:$0x3F9F] =	sst s1;
	(tag) =	ssettag s2;
	_ =	strace s9  }
0x27: {  	s1 =	sld [smem:$0x3FAF]  }
0x28: {  	s2 =	sld [smem:$0x3FB0]  }
0x29: {  	s4 =	sld [smem:$0x3FB2]  }
0x2a: {  	p0 =	seq.s32 s5, $0x0;
	s5 =	sld [smem:$0x3FB3]  }
0x2b: {  	s6 =	sld [smem:$0x3FB4]  }
0x2c: {  	s7 =	sld [smem:$0x3FB5]  }
0x2d: {  	s3 =	simm.s32 $0x108;
	s8 =	sld [smem:$0x3FB6]  }
0x2e: {  	s3 =	simm.s32 @!p0 $0x1082;
	s9 =	sld [smem:$0x3FB7]  }
0x2f: {  	lr =	sadd.s32 s0, s3;
	s0 =	sld [smem:$0x3FAE]  }
0x30: {  	s3 =	sld [smem:$0x3FB1]  }
0x31: {  	[smem:$0x3FBA] =	sst s10  }
0x32: {  	s10 =	sld [smem:$0x3FB8];
	_ =	sdelay $0x3  }
0x33: {  	p0 =	seq.s32 s10, $0x1;
	s10 =	sld [smem:$0x3FBA];
	_ =	sdelay $0x3  }
0x34: {  	[smem:$0x3FBA] =	sst s10  }
0x35: {  	s10 =	sld [smem:$0x3FB9];
	_ =	sdelay $0x3  }
0x36: {  	p1 =	seq.s32 s10, $0x1;
	s10 =	sld [smem:$0x3FBA];
	_ =	sdelay $0x3  }
0x37: {  	[smem:$0x3FBA] =	sst s10  }
0x38: {  	s10 =	sld [smem:$0x3FBB]  }
0x39: {  	_ = 	snop;
	(pc) =	sbr.ind lr, $3  }
0x3a: {  	_ = 	snop  }
0x3b: {  	_ = 	snop  }
0x3c: {  	p2 =	seq.s32 s10, $0x1;
	s10 =	sld [smem:$0x3FBA]  }
0x3d: {  	_ =	shalt  }
0x3e: {  	_ =	shalt  }
0x3f: {  	_ =	shalt  }
0x40: {  	_ =	shalt  }
0x41: {  	_ =	shalt  }
0x42: {  	_ =	shalt  }
0x43: {  	_ =	shalt  }
0x44: {  	_ =	shalt  }
0x45: {  	_ =	shalt  }
0x46: {  	_ =	shalt  }
0x47: {  	_ =	shalt  }
0x48: {  	_ =	shalt  }
0x49: {  	_ =	shalt  }
0x4a: {  	_ =	shalt  }
0x4b: {  	_ =	shalt  }
0x4c: {  	_ =	shalt  }
0x4d: {  	_ =	shalt  }
0x4e: {  	_ =	shalt  }
0x4f: {  	_ =	shalt  }
0x50: {  	_ =	shalt  }
0x51: {  	_ =	shalt  }
0x52: {  	_ =	shalt  }
0x53: {  	_ =	shalt  }
0x54: {  	_ =	shalt  }
0x55: {  	_ =	shalt  }
0x56: {  	_ =	shalt  }
0x57: {  	_ =	shalt  }
0x58: {  	_ =	shalt  }
0x59: {  	_ =	shalt  }
0x5a: {  	_ =	shalt  }
0x5b: {  	_ =	shalt  }
0x5c: {  	_ =	shalt  }
0x5d: {  	_ =	shalt  }
0x5e: {  	_ =	shalt  }
0x5f: {  	_ =	shalt  }
0x60: {  	_ =	shalt  }
0x61: {  	_ =	shalt  }
0x62: {  	_ =	shalt  }
0x63: {  	_ =	shalt  }
0x64: {  	_ =	shalt  }
0x65: {  	_ =	shalt  }
0x66: {  	_ =	shalt  }
0x67: {  	_ =	shalt  }
0x68: {  	_ =	shalt  }
0x69: {  	_ =	shalt  }
0x6a: {  	_ =	shalt  }
0x6b: {  	_ =	shalt  }
0x6c: {  	_ =	shalt  }
0x6d: {  	_ =	shalt  }
0x6e: {  	_ =	shalt  }
0x6f: {  	_ =	shalt  }
0x70: {  	_ =	shalt  }
0x71: {  	_ =	shalt  }
0x72: {  	_ =	shalt  }
0x73: {  	_ =	shalt  }
0x74: {  	_ =	shalt  }
0x75: {  	_ =	shalt  }
0x76: {  	_ =	shalt  }
0x77: {  	_ =	shalt  }
0x78: {  	_ =	shalt  }
0x79: {  	_ =	shalt  }
0x7a: {  	_ =	shalt  }
0x7b: {  	_ =	shalt  }
0x7c: {  	_ =	shalt  }
0x7d: {  	_ =	shalt  }
0x7e: {  	_ =	shalt  }
0x7f: {  	_ =	shalt  }
0x80: {  	_ =	shalt  }
0x81: {  	_ =	shalt  }
0x82: {  	_ =	shalt  }
0x83: {  	_ =	shalt  }
0x84: {  	_ =	shalt  }
0x85: {  	_ =	shalt  }
0x86: {  	_ =	shalt  }
0x87: {  	_ =	shalt  }
.Lfunc_end0:
.L_simem_size_0:
called_computation_lowered:
.L_overlay_start_0:
0x88: {  	s2 =	sld [smem:$0x3FD9]  }
0x89: {  	s3 =	sld [smem:$0x3FFE];
	_ =	sdelay $0x1  }
0x8a: {  	s1 =	srdreg.scid  }
0x8b: {  	s0 =	sand.u32 $0x1, s1  }
0x8c: {  	s17 =	sshll.u32 s0, $0xA;
	s2 =	sadd.s32 s3, s2  }
0x8d: {  	s2 =	sadd.s32 s2, s17  }
0x8e: {  	[smem:$0x3FC6] =	sst s2  }
0x8f: {  	_ = 	snop  }
0x90: {  	s2 =	sld [smem:$0x3FD0];
	(tm) =	ssettm $0x1  }
0x91: {  	s18 =	sld [smem:$0x3FFB];
	_ =	sdelay $0x3  }
0x92: {  	_ =	strace s18  }
0x93: {  	s3 =	sld [smem:$0x3FFC];
	_ =	sdelay $0x3  }
0x94: {  	_ =	strace s3  }
0x95: {  	s3 =	sld [smem:$0x3FFD];
	_ =	sdelay $0x3  }
0x96: {  	_ =	strace s3  }
0x97: {  	_ =	strace $0x8FFFFFFF  }
0x98: {  	s19 =	sld [smem:$0x3FDB];
	_ =	sdelay $0x1  }
0x99: {  	s4 =	simm.s32 $_scs_section_size  }
0x9a: {  	s5 =	simm.s32 $_size__tile_overlayer_lowered;
	s6 =	simm.s32 $_tile_overlayer_lowered  }
0x9b: {  	s22 =	simm.s32 $0x1BFF;
	s21 =	sshll.u32 s6, $0x1;
	s3 =	sadd.s32 s4, s19  }
0x9c: {  	s7 =	simm.s32 $0x0;
	s20 =	sshll.u32 s5, $0x1;
	s5 =	sadd.s32 s21, s3  }
0x9d: {  	[timem:s7], [sflag:s22] =	dma.local [hbm:s5], s20  }
0x9e: {  	_ =	swait.ge [sflag:s22], s20  }
0x9f: {  	s4 =	ssub.s32 $0x0, s20;
	[sflag:s22] =	ssyncset.done $0x0  }
0xa0: {  	[sflag:s22] =	ssyncadd.s32 s4;
	_ =	sdelay $0x1  }
0xa1: {  	s23 =	simm.s32 $0x1B8B  }
0xa2: {  	_ =	swait.ge [sflag:s23], $0x1  }
0xa3: {  	[sflag:s23] =	ssyncset.done $0x0  }
0xa4: {  	s25 =	simm.s32 $0x1B8E;
	s24 =	sld [smem:$0x3FFE];
	[sflag:s23] =	ssyncadd.s32 $0xFFFFFFFF  }
0xa5: {  	s26 =	simm.s32 $execute0_lowered;
	[smem:$0x3FD2] =	sst s25  }
0xa6: {  	s5 =	sshll.u32 s26, $0x1;
	_ =	strace $0x80000046;
	[dreg:$0x1] =	wrdreg $0xFFFFFFFF  }
0xa7: {  	s28 =	simm.s32 $_size_execute0_lowered;
	s3 =	sadd.s32 s3, s5;
	[dreg:$0x0] =	wrdreg $0x0  }
0xa8: {  	s5 =	sshll.u32 s28, $0x1;
	[dreg:$0x2] =	wrdreg s3  }
0xa9: {  	[dreg:$0x3] =	wrdreg s5  }
0xaa: {  	[dreg:$0x4] =	wrdreg $0xC0  }
0xab: {  	_ =	task [dreg:s7], $0x5FFFF  }
0xac: {  	[dreg:$0x1] =	wrdreg $0xFFFFFFFF  }
0xad: {  	[dreg:$0x0] =	wrdreg $0x60  }
0xae: {  	[dreg:$0x2] =	wrdreg s2  }
0xaf: {  	[dreg:$0x3] =	wrdreg s24  }
0xb0: {  	[dreg:$0x4] =	wrdreg $0x9  }
0xb1: {  	_ =	task.clear_ibuf [dreg:s7], $0x5FFFF;
	_ =	strace $0x90000046  }
0xb2: {  	s29 =	simm.s32 $0x9;
	_ =	strace $0x80000048  }
0xb3: {  	_ =	swait.ge [sflag:s29], $0x1  }
0xb4: {  	[sflag:s29] =	ssyncadd.s32 $0xFFFFFFFF  }
0xb5: {  	_ =	strace $0x90000048  }
0xb6: {  	_ =	sfence  }
0xb7: {  	s30 =	sld [smem:$0x0];
	_ =	sdelay $0x2  }
0xb8: {  	s31 =	sshll.u32 s1, $0xD;
	s1 =	sshrl.u32 s1, $0x2  }
0xb9: {  	s3 =	sand.u32 $0x4000, s31;
	s1 =	sadd.s32 s1, s30  }
0xba: {  	s0 =	sor.u32 s3, s0;
	s1 =	sshll.u32 s1, $0x11  }
0xbb: {  	s0 =	sor.u32 s1, s0  }
0xbc: {  	s0 =	sadd.s32 $0x8F2B, s0  }
0xbd: {  	[sflag:s0] =	ssyncadd.remote.s32 $0x1  }
0xbe: {  	_ =	sfence.sel $0xFFFF  }
0xbf: {  	[dreg:$0x0] =	wrdreg $0xFFFFFFFF;
	(pc) =	sbr.abs _section_cstart, $3  }
0xc0: {  	[dreg:$0x1] =	wrdreg $0xFFFFFFFF  }
0xc1: {  	_ =	task.clear_ibuf [dreg:s7], $0x2FFFF;
	_ =	strace $0x9FFFFFFF  }
0xc2: {  	(tm) =	ssettm $0x7FFFFFFF  }
0xc3: {  	_ =	shalt  }
tec
execute0_lowered:
.L_overlay_start_1:
0x0: {  	(tag) =	ssettag $0x1  }
0x1: {  	s2 =	rddreg [dreg:$0x0]  }
0x2: {  	s7 =	rddreg [dreg:$0x1]  }
0x3: {  	s0 =	rddreg [dreg:$0x2];
	s4 =	srdreg.scid  }
0x4: {  	s1 =	stileid.u32;
	s3 =	simm.s32 $0x0;
	s10 =	simm.s32 $0x7  }
0x5: {  	s11 =	simm.s32 $0xE000;
	s12 =	simm.s32 $0x12100;
	s13 =	simm.s32 $0x10080  }
0x6: {  	s14 =	simm.s32 $0x14180;
	s15 =	simm.s32 $0x1;
	s16 =	simm.s32 $0x3  }
0x7: {  	s17 =	simm.s32 $0x2;
	s18 =	simm.s32 $0x4;
	s19 =	simm.s32 $0x7000  }
0x8: {  	s20 =	simm.s32 $0x5;
	s4 =	sand.u32 $0x1, s4;
	s5 =	sshll.u32 s1, $0x1  }
0x9: {  	s21 =	simm.s32 $0x6;
	[smem:$0x7FF] =	sst s3;
	s5 =	sor.u32 s4, s5  }
0xa: {  	s6 =	sadd.s32 $0x600, s7;
	s8 =	ssub.s32 $0x2, s4;
	s4 =	smul.u32 $0x2A, s5  }
0xb: {  	_ =	strace $0x80000047;
	s5 =	sadd.s32 $0x126C00, s7;
	s9 =	sshrl.u32 s8, $0x1  }
0xc: {  	s7 =	sadd.s32 $0x24CC00, s7;
	s8 =	ssub.s32 s8, s9;
	s22 =	sadd.s32 $0x16200, s4  }
0xd: {  	v0 =	vimm.f32 $0.0e+00;
	s9 =	simm.s32 $0x16200;
	s8 =	smax.u32 s8, $0x1;
	v1 =	vmov s4;
	v2 =	vmov s22;
	s22 =	simm.s32 $0x0  }
.LBB2_1:
0xe: {  	[tilespmem:s9], [sflag:$0x7] =	stream.linear.gather [hbm4b:s6+s3], $0x580, $0x38;
	[tilespmem:$0x16780] =	vst v63  }
0xf: {  	_ =	swait.ge [sflag:s10], $0x580  }
0x10: {  	[sflag:s10] =	ssyncset.done $0x0  }
0x11: {  	[sflag:s10] =	ssyncadd.s32 $0xFFFFFA80  }
0x12: {  	v3 =	vld [tilespmem:s4+$0x16200];
	_ =	sdelay $0x4  }
0x13: {  	(v2sf) =	vpush v3, $0x0;
	_ =	sdelay $0xe  }
0x14: {  	s23 =	spop (v2sf)  }
0x15: {  	s23 =	sand.u32 $0xFFFFFFF0, s23  }
0x16: {  	p0 =	slt.s32 s23, $0x92DFC0  }
0x17: {  	s23 =	simm.s32 @!p0 $0x92DFC0  }
0x18: {  	s23 =	sshrl.u32 s23, $0x3  }
0x19: {  	s24 =	sadd.s32 s2, s23  }
0x1a: {  	[tilespmem:s11], [sflag:$0x1] =	stream.linear.gather [hbm4b:s24+s3], $0x2040, $0x38;
	[tilespmem:$0x16780] =	vst v63  }
0x1b: {  	s23 =	sadd.s32 s5, s23  }
0x1c: {  	[tilespmem:s12], [sflag:$0x3] =	stream.linear.gather [hbm4b:s23+s3], $0x2040, $0x38;
	[tilespmem:$0x16780] =	vst v63  }
0x1d: {  	s23 =	simm.s32 $0x0  }
.LBB2_2:
0x1e: {  	_ =	sdelay $0x2  }
0x1f: {  	s25 =	sshll.u32 s23, $0x1  }
0x20: {  	v3 =	vld.idx.msk [tilespmem:v1+s25+$0x16201 ss:$0x1], $0xffff;
	_ =	sdelay $0x4  }
0x21: {  	(v2sf) =	vpush v3, $0x0;
	_ =	sdelay $0xe  }
0x22: {  	s24 =	spop (v2sf)  }
0x23: {  	s24 =	sand.u32 $0xFFFFFFF0, s24  }
0x24: {  	p0 =	slt.s32 s24, $0x92DFC0  }
0x25: {  	s24 =	simm.s32 @!p0 $0x92DFC0  }
0x26: {  	s24 =	sshrl.u32 s24, $0x3  }
0x27: {  	p0 =	seq.s32 s23, $0x0;
	s26 =	sadd.s32 s2, s24  }
0x28: {  	[tilespmem:s13], [sflag:$0x2] =	stream.linear.gather [hbm4b:s26+s3], $0x2040, $0x38;
	[tilespmem:$0x16780] =	vst v63  }
0x29: {  	s24 =	sadd.s32 s5, s24;
	s26 =	simm.s32 @!p0 $0x5  }
0x2a: {  	[tilespmem:s14], [sflag:$0x4] =	stream.linear.gather [hbm4b:s24+s3], $0x2040, $0x38;
	[tilespmem:$0x16780] =	vst v63  }
0x2b: {  	_ =	swait.ge @!p0 [sflag:s26], $0x7000  }
0x2c: {  	s28 =	simm.s32 $0x400;
	s31 =	sadd.s32 s25, s4;
	[sflag:s26] =	ssyncset.done @!p0 $0x0  }
0x2d: {  	s24 =	sadd.s32 $0x1, s31;
	[sflag:s26] =	ssyncadd.s32 @!p0 $0xFFFF9000;
	s26 =	simm.s32 $0x0  }
.LBB2_3:
0x2e: {  	p1 =	sne.s32 s28, $0x1BC00;
	[tilespmem:s26+$0xF0] =	vst v0  }
0x2f: {  	[tilespmem:s26+$0x0] =	vst v0  }
0x30: {  	[tilespmem:s26+$0x10] =	vst v0  }
0x31: {  	[tilespmem:s26+$0x20] =	vst v0  }
0x32: {  	[tilespmem:s26+$0x30] =	vst v0  }
0x33: {  	[tilespmem:s26+$0x40] =	vst v0  }
0x34: {  	[tilespmem:s26+$0x50] =	vst v0  }
0x35: {  	[tilespmem:s26+$0x60] =	vst v0  }
0x36: {  	[tilespmem:s26+$0x70] =	vst v0  }
0x37: {  	[tilespmem:s26+$0x80] =	vst v0  }
0x38: {  	[tilespmem:s26+$0x90] =	vst v0  }
.Ltmp0:
0x39: {  	[tilespmem:s26+$0xA0] =	vst v0;
	(pc) =	sbr.rel @p1 .LBB2_3-.Ltmp0, $4  }
0x3a: {  	[tilespmem:s26+$0xB0] =	vst v0  }
0x3b: {  	[tilespmem:s26+$0xC0] =	vst v0  }
0x3c: {  	[tilespmem:s26+$0xD0] =	vst v0  }
0x3d: {  	[tilespmem:s26+$0xE0] =	vst v0;
	s26 =	sshra.s32 s28, $0x2;
	s28 =	sadd.s32 $0x400, s28  }
0x3e: {  	[tilespmem:s26+$0xF0] =	vst v0  }
0x3f: {  	[tilespmem:s26+$0x0] =	vst v0  }
0x40: {  	[tilespmem:s26+$0x10] =	vst v0  }
0x41: {  	[tilespmem:s26+$0x20] =	vst v0  }
0x42: {  	[tilespmem:s26+$0x30] =	vst v0  }
0x43: {  	[tilespmem:s26+$0x40] =	vst v0  }
0x44: {  	[tilespmem:s26+$0x50] =	vst v0  }
0x45: {  	[tilespmem:s26+$0x60] =	vst v0  }
0x46: {  	[tilespmem:s26+$0x70] =	vst v0  }
0x47: {  	[tilespmem:s26+$0x80] =	vst v0  }
0x48: {  	[tilespmem:s26+$0x90] =	vst v0  }
0x49: {  	[tilespmem:s26+$0xA0] =	vst v0  }
0x4a: {  	[tilespmem:s26+$0xB0] =	vst v0  }
0x4b: {  	[tilespmem:s26+$0xC0] =	vst v0  }
0x4c: {  	[tilespmem:s26+$0xD0] =	vst v0  }
0x4d: {  	[tilespmem:s26+$0xE0] =	vst v0  }
0x4e: {  	_ =	swait.ge [sflag:s15], $0x2040  }
0x4f: {  	[sflag:s15] =	ssyncset.done $0x0  }
0x50: {  	s31 =	sadd.s32 s4, s25;
	[sflag:s15] =	ssyncadd.s32 $0xFFFFDFC0  }
0x51: {  	s26 =	smul.u32 $0x7000, s31;
	_ =	swait.ge [sflag:s16], $0x2040  }
0x52: {  	[sflag:s16] =	ssyncset.done $0x0  }
0x53: {  	s28 =	simm.s32 $0x0;
	v3 =	vmov s26;
	[sflag:s16] =	ssyncadd.s32 $0xFFFFDFC0  }
.LBB2_5:
0x54: {  	s29 =	sshra.s32 s28, $0x2  }
0x55: {  	v4 =	vld [tilespmem:s29+$0xE000];
	_ =	sdelay $0x4  }
0x56: {  	v5 =	vand.u32 $0x7FFFFFFF, v4  }
0x57: {  	v5 =	vsub.s32 v5, v3  }
0x58: {  	vm0 =	vlt.s32 v4, $0x0;
	vm1 =	vlt.u32 v5, $0x7000  }
0x59: {  	v4 =	vand.u32 $0x7F, v4;
	v5 =	vand.u32 $0xFFFFFF80, v5;
	vm0 =	vmand vm0, vm1  }
0x5a: {  	v6 =	vld [tilespmem:s29+$0x12100];
	v4 =	vor.u32 v4, v5;
	_ =	sdelay $0x4  }
0x5b: {  	[tilespmem:v4+s3+$0x0] =	vst.idx.msk vm0, v6  }
0x5c: {  	v4 =	vld [tilespmem:s29+$0xE010];
	_ =	sdelay $0x4  }
0x5d: {  	v5 =	vand.u32 $0x7FFFFFFF, v4  }
0x5e: {  	v5 =	vsub.s32 v5, v3  }
0x5f: {  	vm10 =	vlt.s32 v4, $0x0;
	vm11 =	vlt.u32 v5, $0x7000  }
0x60: {  	v4 =	vand.u32 $0x7F, v4;
	v5 =	vand.u32 $0xFFFFFF80, v5;
	vm0 =	vmand vm10, vm11  }
0x61: {  	v6 =	vld [tilespmem:s29+$0x12110];
	v4 =	vor.u32 v4, v5;
	_ =	sdelay $0x4  }
0x62: {  	[tilespmem:v4+s3+$0x0] =	vst.idx.msk vm0, v6  }
0x63: {  	v4 =	vld [tilespmem:s29+$0xE020];
	_ =	sdelay $0x4  }
0x64: {  	v5 =	vand.u32 $0x7FFFFFFF, v4  }
0x65: {  	v5 =	vsub.s32 v5, v3  }
0x66: {  	vm12 =	vlt.s32 v4, $0x0;
	vm13 =	vlt.u32 v5, $0x7000  }
0x67: {  	v4 =	vand.u32 $0x7F, v4;
	v5 =	vand.u32 $0xFFFFFF80, v5;
	vm0 =	vmand vm12, vm13  }
0x68: {  	v6 =	vld [tilespmem:s29+$0x12120];
	v4 =	vor.u32 v4, v5;
	_ =	sdelay $0x4  }
0x69: {  	[tilespmem:v4+s3+$0x0] =	vst.idx.msk vm0, v6  }
0x6a: {  	v4 =	vld [tilespmem:s29+$0xE030];
	_ =	sdelay $0x4  }
0x6b: {  	v5 =	vand.u32 $0x7FFFFFFF, v4  }
0x6c: {  	v5 =	vsub.s32 v5, v3  }
0x6d: {  	vm14 =	vlt.s32 v4, $0x0;
	vm15 =	vlt.u32 v5, $0x7000  }
0x6e: {  	v4 =	vand.u32 $0x7F, v4;
	v5 =	vand.u32 $0xFFFFFF80, v5;
	vm0 =	vmand vm14, vm15  }
0x6f: {  	p1 =	sne.s32 s28, $0x8000;
	v6 =	vld [tilespmem:s29+$0x12130];
	v4 =	vor.u32 v4, v5  }
.Ltmp1:
0x70: {  	_ = 	snop;
	(pc) =	sbr.rel @p1 .LBB2_5-.Ltmp1, $2  }
0x71: {  	_ =	sdelay $0x2  }
0x72: {  	s28 =	sadd.s32 $0x100, s28;
	[tilespmem:v4+s3+$0x0] =	vst.idx.msk vm0, v6  }
0x73: {  	_ = 	snop  }
0x74: {  	s26 =	sshrl.u32 s26, $0x3  }
0x75: {  	s26 =	sadd.s32 s7, s26  }
0x76: {  	[hbm4b:s26+s3] =	stream.linear.scatter [tilespmem:s3], [sflag:$0x5], $0x7000, $0x38;
	[tilespmem:$0x16780] =	vst v63  }
0x77: {  	v3 =	vld.idx.msk [tilespmem:v2+s25+$0x2 ss:$0x1], $0xffff;
	_ =	sdelay $0x4  }
0x78: {  	(v2sf) =	vpush v3, $0x0;
	_ =	sdelay $0xe  }
0x79: {  	s30 =	spop (v2sf)  }
0x7a: {  	s25 =	sand.u32 $0xFFFFFFF0, s30  }
0x7b: {  	p1 =	slt.s32 s25, $0x92DFC0  }
0x7c: {  	s25 =	simm.s32 @!p1 $0x92DFC0  }
0x7d: {  	s25 =	sshrl.u32 s25, $0x3  }
0x7e: {  	s31 =	sadd.s32 s2, s25  }
0x7f: {  	[tilespmem:s11], [sflag:$0x1] =	stream.linear.gather [hbm4b:s31+s3], $0x2040, $0x38;
	[tilespmem:$0x16780] =	vst v63  }
0x80: {  	s25 =	sadd.s32 s5, s25  }
0x81: {  	[tilespmem:s12], [sflag:$0x3] =	stream.linear.gather [hbm4b:s25+s3], $0x2040, $0x38;
	[tilespmem:$0x16780] =	vst v63  }
0x82: {  	s25 =	simm.s32 @!p0 $0x6  }
0x83: {  	_ =	swait.ge @!p0 [sflag:s25], $0x7000  }
0x84: {  	[sflag:s25] =	ssyncset.done @!p0 $0x0  }
0x85: {  	s26 =	simm.s32 $0x400;
	[sflag:s25] =	ssyncadd.s32 @!p0 $0xFFFF9000;
	s25 =	simm.s32 $0x0  }
.LBB2_7:
0x86: {  	p0 =	sne.s32 s26, $0x1BC00;
	[tilespmem:s25+$0x70F0] =	vst v0  }
0x87: {  	[tilespmem:s25+$0x7000] =	vst v0  }
0x88: {  	[tilespmem:s25+$0x7010] =	vst v0  }
0x89: {  	[tilespmem:s25+$0x7020] =	vst v0  }
0x8a: {  	[tilespmem:s25+$0x7030] =	vst v0  }
0x8b: {  	[tilespmem:s25+$0x7040] =	vst v0  }
0x8c: {  	[tilespmem:s25+$0x7050] =	vst v0  }
0x8d: {  	[tilespmem:s25+$0x7060] =	vst v0  }
0x8e: {  	[tilespmem:s25+$0x7070] =	vst v0  }
0x8f: {  	[tilespmem:s25+$0x7080] =	vst v0  }
0x90: {  	[tilespmem:s25+$0x7090] =	vst v0  }
.Ltmp2:
0x91: {  	[tilespmem:s25+$0x70A0] =	vst v0;
	(pc) =	sbr.rel @p0 .LBB2_7-.Ltmp2, $4  }
0x92: {  	[tilespmem:s25+$0x70B0] =	vst v0  }
0x93: {  	[tilespmem:s25+$0x70C0] =	vst v0  }
0x94: {  	[tilespmem:s25+$0x70D0] =	vst v0  }
0x95: {  	[tilespmem:s25+$0x70E0] =	vst v0;
	s25 =	sshra.s32 s26, $0x2;
	s26 =	sadd.s32 $0x400, s26  }
0x96: {  	[tilespmem:s25+$0x70F0] =	vst v0  }
0x97: {  	[tilespmem:s25+$0x7000] =	vst v0  }
0x98: {  	[tilespmem:s25+$0x7010] =	vst v0  }
0x99: {  	[tilespmem:s25+$0x7020] =	vst v0  }
0x9a: {  	[tilespmem:s25+$0x7030] =	vst v0  }
0x9b: {  	[tilespmem:s25+$0x7040] =	vst v0  }
0x9c: {  	[tilespmem:s25+$0x7050] =	vst v0  }
0x9d: {  	[tilespmem:s25+$0x7060] =	vst v0  }
0x9e: {  	[tilespmem:s25+$0x7070] =	vst v0  }
0x9f: {  	[tilespmem:s25+$0x7080] =	vst v0  }
0xa0: {  	[tilespmem:s25+$0x7090] =	vst v0  }
0xa1: {  	[tilespmem:s25+$0x70A0] =	vst v0  }
0xa2: {  	[tilespmem:s25+$0x70B0] =	vst v0  }
0xa3: {  	[tilespmem:s25+$0x70C0] =	vst v0  }
0xa4: {  	[tilespmem:s25+$0x70D0] =	vst v0  }
0xa5: {  	[tilespmem:s25+$0x70E0] =	vst v0  }
0xa6: {  	_ =	swait.ge [sflag:s17], $0x2040  }
0xa7: {  	[sflag:s17] =	ssyncset.done $0x0  }
0xa8: {  	[sflag:s17] =	ssyncadd.s32 $0xFFFFDFC0  }
0xa9: {  	s24 =	smul.u32 $0x7000, s24;
	_ =	swait.ge [sflag:s18], $0x2040  }
0xaa: {  	[sflag:s18] =	ssyncset.done $0x0  }
0xab: {  	s25 =	simm.s32 $0x0;
	v3 =	vmov s24;
	[sflag:s18] =	ssyncadd.s32 $0xFFFFDFC0  }
.LBB2_9:
0xac: {  	s26 =	sshra.s32 s25, $0x2  }
0xad: {  	v4 =	vld [tilespmem:s26+$0x10080];
	_ =	sdelay $0x4  }
0xae: {  	v5 =	vand.u32 $0x7FFFFFFF, v4  }
0xaf: {  	v5 =	vsub.s32 v5, v3  }
0xb0: {  	vm0 =	vlt.s32 v4, $0x0;
	vm1 =	vlt.u32 v5, $0x7000  }
0xb1: {  	v4 =	vand.u32 $0x7F, v4;
	v5 =	vand.u32 $0xFFFFFF80, v5;
	vm0 =	vmand vm0, vm1  }
0xb2: {  	v6 =	vld [tilespmem:s26+$0x14180];
	v4 =	vor.u32 v4, v5;
	_ =	sdelay $0x4  }
0xb3: {  	[tilespmem:v4+s19+$0x0] =	vst.idx.msk vm0, v6  }
0xb4: {  	v4 =	vld [tilespmem:s26+$0x10090];
	_ =	sdelay $0x4  }
0xb5: {  	v5 =	vand.u32 $0x7FFFFFFF, v4  }
0xb6: {  	v5 =	vsub.s32 v5, v3  }
0xb7: {  	vm10 =	vlt.s32 v4, $0x0;
	vm11 =	vlt.u32 v5, $0x7000  }
0xb8: {  	v4 =	vand.u32 $0x7F, v4;
	v5 =	vand.u32 $0xFFFFFF80, v5;
	vm0 =	vmand vm10, vm11  }
0xb9: {  	v6 =	vld [tilespmem:s26+$0x14190];
	v4 =	vor.u32 v4, v5;
	_ =	sdelay $0x4  }
0xba: {  	[tilespmem:v4+s19+$0x0] =	vst.idx.msk vm0, v6  }
0xbb: {  	v4 =	vld [tilespmem:s26+$0x100A0];
	_ =	sdelay $0x4  }
0xbc: {  	v5 =	vand.u32 $0x7FFFFFFF, v4  }
0xbd: {  	v5 =	vsub.s32 v5, v3  }
0xbe: {  	vm12 =	vlt.s32 v4, $0x0;
	vm13 =	vlt.u32 v5, $0x7000  }
0xbf: {  	v4 =	vand.u32 $0x7F, v4;
	v5 =	vand.u32 $0xFFFFFF80, v5;
	vm0 =	vmand vm12, vm13  }
0xc0: {  	v6 =	vld [tilespmem:s26+$0x141A0];
	v4 =	vor.u32 v4, v5;
	_ =	sdelay $0x4  }
0xc1: {  	[tilespmem:v4+s19+$0x0] =	vst.idx.msk vm0, v6  }
0xc2: {  	v4 =	vld [tilespmem:s26+$0x100B0];
	_ =	sdelay $0x4  }
0xc3: {  	v5 =	vand.u32 $0x7FFFFFFF, v4  }
0xc4: {  	v5 =	vsub.s32 v5, v3  }
0xc5: {  	vm14 =	vlt.s32 v4, $0x0;
	vm15 =	vlt.u32 v5, $0x7000  }
0xc6: {  	v4 =	vand.u32 $0x7F, v4;
	v5 =	vand.u32 $0xFFFFFF80, v5;
	vm0 =	vmand vm14, vm15  }
0xc7: {  	p0 =	sne.s32 s25, $0x8000;
	v6 =	vld [tilespmem:s26+$0x141B0];
	v4 =	vor.u32 v4, v5  }
.Ltmp3:
0xc8: {  	_ = 	snop;
	(pc) =	sbr.rel @p0 .LBB2_9-.Ltmp3, $2  }
0xc9: {  	_ =	sdelay $0x2  }
0xca: {  	s25 =	sadd.s32 $0x100, s25;
	[tilespmem:v4+s19+$0x0] =	vst.idx.msk vm0, v6  }
0xcb: {  	s23 =	sadd.s32 $0x1, s23  }
0xcc: {  	p0 =	sne.s32 s23, $0x15  }
.Ltmp4:
0xcd: {  	_ = 	snop;
	(pc) =	sbr.rel @p0 .LBB2_2-.Ltmp4, $4  }
0xce: {  	_ = 	snop  }
0xcf: {  	s24 =	sshrl.u32 s24, $0x3  }
0xd0: {  	s24 =	sadd.s32 s7, s24  }
0xd1: {  	[hbm4b:s24+s3] =	stream.linear.scatter [tilespmem:s19], [sflag:$0x6], $0x7000, $0x38;
	[tilespmem:$0x16780] =	vst v63  }
0xd2: {  	_ =	swait.ge [sflag:s15], $0x2040  }
0xd3: {  	[sflag:s15] =	ssyncset.done $0x0  }
0xd4: {  	[sflag:s15] =	ssyncadd.s32 $0xFFFFDFC0  }
0xd5: {  	_ =	swait.ge [sflag:s16], $0x2040  }
0xd6: {  	[sflag:s16] =	ssyncset.done $0x0  }
0xd7: {  	s22 =	sadd.s32 $0x1, s22;
	[sflag:s16] =	ssyncadd.s32 $0xFFFFDFC0  }
0xd8: {  	p0 =	sne.s32 s22, s8;
	_ =	swait.ge [sflag:s20], $0x7000  }
.Ltmp5:
0xd9: {  	[sflag:s20] =	ssyncset.done $0x0;
	(pc) =	sbr.rel @p0 .LBB2_1-.Ltmp5, $4  }
0xda: {  	[sflag:s20] =	ssyncadd.s32 $0xFFFF9000  }
0xdb: {  	_ =	swait.ge [sflag:s21], $0x7000  }
0xdc: {  	[sflag:s21] =	ssyncset.done $0x0  }
0xdd: {  	[sflag:s21] =	ssyncadd.s32 $0xFFFF9000  }
0xde: {  	_ =	sfence.sel $0x180000  }
0xdf: {  	[bflag:$0x0] =	sbarrier.arrive $0xFFFF  }
0xe0: {  	p0 =	sne.s32 s1, $0x0;
	_ =	strace $0x90000047  }
0xe1: {  	s0 =	sadd.s32 @!p0 $0x100000, s0;
	[bflag:$0x2] =	sbarrier.arrive $0xFFFF  }
0xe2: {  	[sflag:s0] =	ssyncadd.tile.s32 @!p0 $0x1;
	_ =	shalt  }
.Lfunc_end2:
_tile_overlayer_lowered:
.L_overlay_start_2:
0xe3: {  	(tag) =	ssettag $0x2  }
0xe4: {  	s0 =	rddreg [dreg:$0x0];
	s2 =	stileid.u32  }
0xe5: {  	s1 =	rddreg [dreg:$0x1];
	p0 =	sne.s32 s2, $0x0  }
0xe6: {  	s3 =	rddreg [dreg:$0x2];
	[bflag:$0x3] =	sbarrier.arrive $0xFFFF;
	s2 =	simm.s32 @!p0 $0x1C07  }
0xe7: {  	[timem:s3], [sflag:s2] =	dma.local @!p0 [hbm:s0], s1  }
0xe8: {  	s0 =	simm.s32 @!p0 $0x7  }
0xe9: {  	_ =	swait.ge @!p0 [sflag:s0], s1  }
0xea: {  	s1 =	ssub.s32 @!p0 $0x0, s1;
	[sflag:s0] =	ssyncset.done @!p0 $0x0  }
0xeb: {  	[sflag:s0] =	ssyncadd.s32 @!p0 s1  }
0xec: {  	[bflag:$0x3] =	sbarrier.arrive $0xFFFF  }
0xed: {  	_ =	shalt  }

</sc_bundles>
